<compile_context>
chip_gen: v7x
topology: tpu7x:2x2x1
jax: 0.10.2.dev20260603
libtpu: 0.0.44.dev20260713+nightly
codegen_flags: <defaults>
</compile_context>

<pallas_src>
import functools

import jax
import jax.numpy as jnp
from jax import lax
from jax.experimental import pallas as pl
from jax.experimental.pallas import tpu as pltpu
from jax.experimental.pallas import tpu_sc as plsc

N = 10000
E = 320000
F = 128
NPAD = 10240
TILES = 32
BLK = 128
BPS = 40
SB = 2
KB = SB * BPS
EPAD = TILES * KB * BLK
RPT = NPAD // 16


@functools.cache
def _sc_kernels():
    mesh = plsc.VectorSubcoreMesh(core_axis_name="c", subcore_axis_name="s")

    EPT = E // TILES

    @functools.partial(
        pl.kernel,
        out_type=jax.ShapeDtypeStruct((TILES, NPAD), jnp.float32),
        mesh=mesh,
        scratch_types=[
            pltpu.VMEM((EPT,), jnp.int32),
            pltpu.VMEM((NPAD,), jnp.float32),
        ],
        compiler_params=pltpu.CompilerParams(needs_layout_passes=False),
    )
    def _hist(col_hbm, out_hbm, col_v, hist_v):
        cid = lax.axis_index("c")
        sid = lax.axis_index("s")
        wid = cid * 16 + sid
        pltpu.sync_copy(col_hbm.at[pl.ds(wid * EPT, EPT)], col_v)
        z16 = jnp.zeros((16,), jnp.float32)
        ones16 = jnp.ones((16,), jnp.float32)

        def zbody(i, carry):
            hist_v[pl.ds(i * 16, 16)] = z16
            return carry

        lax.fori_loop(0, NPAD // 16, zbody, 0)

        def ebody(j, carry):
            idx = col_v[pl.ds(j * 16, 16)]
            plsc.addupdate_scatter(hist_v, [idx], ones16)
            return carry

        lax.fori_loop(0, EPT // 16, ebody, 0)
        pltpu.sync_copy(hist_v, out_hbm.at[wid])

    @functools.partial(
        pl.kernel,
        out_type=jax.ShapeDtypeStruct((2, NPAD, F), jnp.float32),
        mesh=mesh,
        scratch_types=[
            pltpu.VMEM((2, BPS, BLK), jnp.int32),
            pltpu.VMEM((2, BLK, F), jnp.float32),
            pltpu.VMEM_SHARED((NPAD, F), jnp.float32),
            pltpu.SemaphoreType.DMA,
        ],
    )
    def _segsum(hp_hbm, row_hbm, col_hbm, out_hbm, idx_v, gbuf, acc_sh,
                gsem):
        cid = lax.axis_index("c")
        sid = lax.axis_index("s")
        wid = cid * 16 + sid
        z16 = jnp.zeros((16,), jnp.float32)

        def zb(i, carry):
            for c in range(F // 16):
                gbuf[0, i, pl.ds(c * 16, 16)] = z16
            return carry

        lax.fori_loop(0, BLK, zb, 0)

        def zc(k, carry):
            pltpu.sync_copy(gbuf.at[0],
                            acc_sh.at[pl.ds(sid * RPT + k * BLK, BLK)])
            return carry

        lax.fori_loop(0, RPT // BLK, zc, 0)
        plsc.subcore_barrier()

        def super_body(s, carry):
            pltpu.sync_copy(row_hbm.at[wid].at[s], idx_v.at[0])
            pltpu.sync_copy(col_hbm.at[wid].at[s], idx_v.at[1])
            pltpu.async_copy(hp_hbm.at[idx_v.at[0].at[0]], gbuf.at[0], gsem)

            def pair_body(p, carry2):
                j = 2 * p
                pltpu.make_async_copy(hp_hbm.at[idx_v.at[0].at[j]],
                                      gbuf.at[0], gsem).wait()
                pltpu.async_copy(hp_hbm.at[idx_v.at[0].at[j + 1]],
                                 gbuf.at[1], gsem)
                pltpu.sync_copy(gbuf.at[0], acc_sh.at[idx_v.at[1].at[j]],
                                add=True)
                pltpu.make_async_copy(hp_hbm.at[idx_v.at[0].at[j + 1]],
                                      gbuf.at[1], gsem).wait()

                @pl.when(p + 1 < BPS // 2)
                def _prefetch():
                    pltpu.async_copy(hp_hbm.at[idx_v.at[0].at[j + 2]],
                                     gbuf.at[0], gsem)

                pltpu.sync_copy(gbuf.at[1], acc_sh.at[idx_v.at[1].at[j + 1]],
                                add=True)
                return carry2

            lax.fori_loop(0, BPS // 2, pair_body, 0)
            return carry

        lax.fori_loop(0, SB, super_body, 0)
        plsc.subcore_barrier()
        pltpu.sync_copy(acc_sh.at[pl.ds(sid * RPT, RPT)],
                        out_hbm.at[cid].at[pl.ds(sid * RPT, RPT)])

    return _hist, _segsum


def _dis_col_1024(dis8, eye):
    cols = [
        lax.dot_general(eye, dis8[c][None, :], (((1,), (1,)), ((), ())),
                        preferred_element_type=jnp.float32)
        for c in range(8)
    ]
    return jnp.concatenate(cols, axis=0)


def _pre_body(x_ref, wi_ref, h3_ref, eye_ref, hp_ref, dis_ref):
    hb = h3_ref[...]
    deg = jnp.sum(hb, axis=0)
    dis8 = jnp.where(deg > 0.0,
                     lax.rsqrt(jnp.maximum(deg, 1.0)),
                     0.0)
    dis_ref[...] = dis8
    dis_col = _dis_col_1024(dis8, eye_ref[...])
    hp_ref[...] = jnp.dot(x_ref[...], wi_ref[...],
                          preferred_element_type=jnp.float32) * dis_col


def _fin_body(agg_ref, x_ref, wr_ref, b_ref, dis_ref, eye_ref, o_ref):
    dis_col = _dis_col_1024(dis_ref[...], eye_ref[...])
    s = agg_ref[0] + agg_ref[1]
    r = jnp.dot(x_ref[...], wr_ref[...],
                preferred_element_type=jnp.float32) + b_ref[...]
    o_ref[...] = jnp.maximum(s * dis_col + r, 0.0)


def _pre_call(x_p, wi, h3, eye, interpret=False):
    nb = NPAD // 1024
    return pl.pallas_call(
        _pre_body,
        grid=(nb,),
        in_specs=[
            pl.BlockSpec((1024, F), lambda i: (i, 0)),
            pl.BlockSpec((F, F), lambda i: (0, 0)),
            pl.BlockSpec((TILES, 8, F), lambda i: (0, i, 0)),
            pl.BlockSpec((F, F), lambda i: (0, 0)),
        ],
        out_specs=[
            pl.BlockSpec((1024, F), lambda i: (i, 0)),
            pl.BlockSpec((8, F), lambda i: (i, 0)),
        ],
        out_shape=[
            jax.ShapeDtypeStruct((NPAD, F), jnp.float32),
            jax.ShapeDtypeStruct((NPAD // F, F), jnp.float32),
        ],
        interpret=interpret,
    )(x_p, wi, h3, eye)


def _fin_call(aggs, x_p, wr, b2, dis, eye, interpret=False):
    nb = NPAD // 1024
    return pl.pallas_call(
        _fin_body,
        grid=(nb,),
        in_specs=[
            pl.BlockSpec((2, 1024, F), lambda i: (0, i, 0)),
            pl.BlockSpec((1024, F), lambda i: (i, 0)),
            pl.BlockSpec((F, F), lambda i: (0, 0)),
            pl.BlockSpec((1, F), lambda i: (0, 0)),
            pl.BlockSpec((8, F), lambda i: (i, 0)),
            pl.BlockSpec((F, F), lambda i: (0, 0)),
        ],
        out_specs=pl.BlockSpec((1024, F), lambda i: (i, 0)),
        out_shape=jax.ShapeDtypeStruct((NPAD, F), jnp.float32),
        interpret=interpret,
    )(aggs, x_p, wr, b2, dis, eye)


def kernel(x, edge_index, init_weight, root_weight, bias):
    row = edge_index[0]
    col = edge_index[1]
    pad = EPAD - E
    pad_rows = jnp.arange(pad, dtype=jnp.int32) % N
    pad_cols = N + jnp.arange(pad, dtype=jnp.int32) % (NPAD - N)
    row_p = jnp.concatenate([row, pad_rows]).reshape(TILES, SB, BPS, BLK)
    col_p = jnp.concatenate([col, pad_cols]).reshape(TILES, SB, BPS, BLK)
    x_p = jnp.pad(x, ((0, NPAD - N), (0, 0)))
    eye = jnp.eye(F, dtype=jnp.float32)
    b2 = bias.reshape(1, F)

    _hist, _segsum = _sc_kernels()
    hists = _hist(col)
    h3 = hists.reshape(TILES, NPAD // F, F)
    hp, dis = _pre_call(x_p, init_weight, h3, eye)
    aggs = _segsum(hp, row_p, col_p)
    out = _fin_call(aggs, x_p, root_weight, b2, dis, eye)
    return out[:N]

# --- scband reference (transcript-rebuilt; emitter-appended) ---
"""Pipeline reference for scband-armaconv-56908316672633 (READ-ONLY COPY).

The authoritative reference and input builder live on the scoring server;
editing this copy changes nothing except your own understanding.
"""

import jax, jax.numpy as jnp
import numpy as np

N = 10000
E = 320000
F_IN = 128
F_OUT = 128


def setup_inputs(seed: int = 0) -> dict:
    key = jax.random.key(seed)
    k1, k2, k3, k4 = jax.random.split(key, 4)
    x = jax.random.normal(k1, (N, F_IN), dtype=jnp.float32)
    edge_index = jax.random.randint(k2, (2, E), 0, N, dtype=jnp.int32)
    # ARMAConv (num_stacks=1, num_layers=1) learned params:
    # init_weight: [F_in, F_out], root_weight: [F_in, F_out], bias: [F_out]
    init_weight = jax.random.normal(k3, (F_IN, F_OUT), dtype=jnp.float32) * (1.0 / np.sqrt(F_IN))
    root_weight = jax.random.normal(k4, (F_IN, F_OUT), dtype=jnp.float32) * (1.0 / np.sqrt(F_IN))
    bias = jnp.zeros((F_OUT,), dtype=jnp.float32)
    return {"x": x, "edge_index": edge_index, "init_weight": init_weight,
            "root_weight": root_weight, "bias": bias}


def reference(x, edge_index, init_weight, root_weight, bias):
    # PyG ARMAConv with num_stacks=1, num_layers=1, no edge_weight provided,
    # act=ReLU, dropout=0 (eval), shared_weights irrelevant for 1 layer.
    n = x.shape[0]
    row = edge_index[0]  # source nodes (x_j)
    col = edge_index[1]  # target nodes (aggregation index)
    ew = jnp.ones(row.shape[0], dtype=x.dtype)
    # gcn_norm with add_self_loops=False: deg computed at target (col)
    deg = jax.ops.segment_sum(ew, col, num_segments=n)
    deg_inv_sqrt = jnp.where(deg > 0, 1.0 / jnp.sqrt(jnp.where(deg > 0, deg, 1.0)), 0.0)
    norm = deg_inv_sqrt[row] * ew * deg_inv_sqrt[col]
    # layer t=0: out = x @ init_weight, then propagate (message = norm * x_j, sum-aggregate)
    h = x @ init_weight  # [N, F_out]
    msg = norm[:, None] * jnp.take(h, row, axis=0)  # gather sources
    agg = jax.ops.segment_sum(msg, col, num_segments=n)  # scatter-add to targets
    # root skip: out += root @ root_weight + bias; act=ReLU; mean over stacks (K=1)
    out = jax.nn.relu(agg + x @ root_weight + bias)
    # wrapper returns (x, edge_index, edge_attr=None, batch=None); we return the node features
    return out

if __name__ == "__main__":
    import jax
    _d = setup_inputs()
    print(jax.jit(kernel)(*tuple(_d.values())))

</pallas_src>

<mosaic_0001>
#map = affine_map<(d0, d1) -> (0)>
#map1 = affine_map<(d0, d1) -> (0, 0)>
module attributes {stable_mosaic.version = 14 : i64} {
  func.func @_hist(%arg0: i32, %arg1: i32, %arg2: memref<320000xi32, #tpu.memory_space<hbm>>, %arg3: memref<32x10240xf32, #tpu.memory_space<hbm>>, %arg4: memref<10000xi32, #tpu.memory_space<vmem>>, %arg5: memref<10240xf32, #tpu.memory_space<vmem>>) attributes {dimension_semantics = [#tpu.dimension_semantics<core_parallel>, #tpu.dimension_semantics<subcore_parallel>], iteration_bounds = array<i64: 2, 16>, scalar_prefetch = 0 : i64, scratch_operands = 2 : i64, tpu.core_type = #tpu.core_type<sc_vector_subcore>, window_params = [{transform_indices = #map}, {transform_indices = #map1}]} {
    %mul3A = arith.constant 16 : i32
    %mul3A_0 = arith.muli %arg0, %mul3A : i32
    %add3A = arith.addi %mul3A_0, %arg1 : i32
    %mul3A_1 = arith.constant 10000 : i32
    %mul3A_2 = arith.muli %add3A, %mul3A_1 : i32
    "tpu.region"() ({
      %run_scoped3A = tpu.sem_alloc : memref<!tpu.dma_semaphore, #tpu.memory_space<semaphore_mem>>
      %dma_start3A = tpu.memref_slice %arg2[%mul3A_2] : memref<320000xi32, #tpu.memory_space<hbm>> -> memref<10000xi32, #tpu.memory_space<hbm>>
      %dma_start3A_17 = tpu.memref_slice %arg2[%mul3A_2] : memref<320000xi32, #tpu.memory_space<hbm>> -> memref<10000xi32, #tpu.memory_space<hbm>>
      tpu.enqueue_dma source(%dma_start3A_17 : memref<10000xi32, #tpu.memory_space<hbm>>) target(%arg4 : memref<10000xi32, #tpu.memory_space<vmem>>) target_semaphore(%run_scoped3A : memref<!tpu.dma_semaphore, #tpu.memory_space<semaphore_mem>>)
      %dma_wait3A = tpu.memref_slice %arg2[%mul3A_2] : memref<320000xi32, #tpu.memory_space<hbm>> -> memref<10000xi32, #tpu.memory_space<hbm>>
      %dma_wait3A_18 = tpu.memref_slice %arg2[%mul3A_2] : memref<320000xi32, #tpu.memory_space<hbm>> -> memref<10000xi32, #tpu.memory_space<hbm>>
      tpu.wait_dma2 semaphore(%run_scoped3A : memref<!tpu.dma_semaphore, #tpu.memory_space<semaphore_mem>>) src(%dma_wait3A_18 : memref<10000xi32, #tpu.memory_space<hbm>>) dst(%arg4 : memref<10000xi32, #tpu.memory_space<vmem>>)
      tpu.yield
    }) : () -> ()
    %broadcast_in_dim3A = arith.constant 0.000000e+00 : f32
    %broadcast_in_dim3A_3 = vector.broadcast %broadcast_in_dim3A : f32 to vector<16xf32>
    %broadcast_in_dim3A_4 = arith.constant 1.000000e+00 : f32
    %broadcast_in_dim3A_5 = vector.broadcast %broadcast_in_dim3A_4 : f32 to vector<16xf32>
    %scan3A = arith.constant 0 : i32
    %scan3A_6 = arith.constant 0 : i32
    %scan3A_7 = arith.constant 640 : i32
    %scan3A_8 = arith.addi %scan3A_6, %scan3A_7 : i32
    %scan3A_9 = arith.constant 1 : i32
    scf.for %scan3A_17 = %scan3A_6 to %scan3A_8 step %scan3A_9  : i32 {
      %mul3A_18 = arith.constant 16 : i32
      %mul3A_19 = arith.muli %scan3A_17, %mul3A_18 : i32
      %swap3A = arith.index_cast %mul3A_19 : i32 to index
      %swap3A_20 = tpu.vector_load %arg5[%swap3A] {strides = array<i32>} : memref<10240xf32, #tpu.memory_space<vmem>>, vector<16xf32>,
      tpu.vector_store %arg5[%swap3A], %broadcast_in_dim3A_3 {strides = array<i32>} : memref<10240xf32, #tpu.memory_space<vmem>>, vector<16xf32>,
    }
    %scan3A_10 = arith.constant 640 : i32
    %scan3A_11 = arith.constant 0 : i32
    %scan3A_12 = arith.constant 0 : i32
    %scan3A_13 = arith.constant 625 : i32
    %scan3A_14 = arith.addi %scan3A_12, %scan3A_13 : i32
    %scan3A_15 = arith.constant 1 : i32
    scf.for %scan3A_17 = %scan3A_12 to %scan3A_14 step %scan3A_15  : i32 {
      %mul3A_18 = arith.constant 16 : i32
      %mul3A_19 = arith.muli %scan3A_17, %mul3A_18 : i32
      %get3A = arith.index_cast %mul3A_19 : i32 to index
      %get3A_20 = tpu.vector_load %arg4[%get3A] {strides = array<i32>} : memref<10000xi32, #tpu.memory_space<vmem>>, vector<16xi32>,
      tpu.vector_store_idx %arg5[%get3A_20], %broadcast_in_dim3A_5 {add = true} : memref<10240xf32, #tpu.memory_space<vmem>>[vector<16xi32>], vector<16xf32>,
    }
    %scan3A_16 = arith.constant 625 : i32
    "tpu.region"() ({
      %run_scoped3A = tpu.sem_alloc : memref<!tpu.dma_semaphore, #tpu.memory_space<semaphore_mem>>
      %dma_start3A = arith.constant 0 : i32
      %dma_start3A_17 = tpu.memref_slice %arg3[%add3A, %dma_start3A] : memref<32x10240xf32, #tpu.memory_space<hbm>> -> memref<1x10240xf32, #tpu.memory_space<hbm>>
      %dma_start3A_18 = tpu.memref_squeeze %dma_start3A_17 : memref<1x10240xf32, #tpu.memory_space<hbm>> -> memref<10240xf32, #tpu.memory_space<hbm>>
      %dma_start3A_19 = arith.constant 0 : i32
      %dma_start3A_20 = tpu.memref_slice %arg3[%add3A, %dma_start3A_19] : memref<32x10240xf32, #tpu.memory_space<hbm>> -> memref<1x10240xf32, #tpu.memory_space<hbm>>
      %dma_start3A_21 = tpu.memref_squeeze %dma_start3A_20 : memref<1x10240xf32, #tpu.memory_space<hbm>> -> memref<10240xf32, #tpu.memory_space<hbm>>
      tpu.enqueue_dma source(%arg5 : memref<10240xf32, #tpu.memory_space<vmem>>) target(%dma_start3A_21 : memref<10240xf32, #tpu.memory_space<hbm>>) target_semaphore(%run_scoped3A : memref<!tpu.dma_semaphore, #tpu.memory_space<semaphore_mem>>)
      %dma_wait3A = arith.constant 0 : i32
      %dma_wait3A_22 = tpu.memref_slice %arg3[%add3A, %dma_wait3A] : memref<32x10240xf32, #tpu.memory_space<hbm>> -> memref<1x10240xf32, #tpu.memory_space<hbm>>
      %dma_wait3A_23 = tpu.memref_squeeze %dma_wait3A_22 : memref<1x10240xf32, #tpu.memory_space<hbm>> -> memref<10240xf32, #tpu.memory_space<hbm>>
      %dma_wait3A_24 = arith.constant 0 : i32
      %dma_wait3A_25 = tpu.memref_slice %arg3[%add3A, %dma_wait3A_24] : memref<32x10240xf32, #tpu.memory_space<hbm>> -> memref<1x10240xf32, #tpu.memory_space<hbm>>
      %dma_wait3A_26 = tpu.memref_squeeze %dma_wait3A_25 : memref<1x10240xf32, #tpu.memory_space<hbm>> -> memref<10240xf32, #tpu.memory_space<hbm>>
      tpu.wait_dma2 semaphore(%run_scoped3A : memref<!tpu.dma_semaphore, #tpu.memory_space<semaphore_mem>>) src(%arg5 : memref<10240xf32, #tpu.memory_space<vmem>>) dst(%dma_wait3A_26 : memref<10240xf32, #tpu.memory_space<hbm>>)
      tpu.yield
    }) : () -> ()
    return
  }
}

#map = affine_map<(d0, d1) -> (0, 0)>
#map1 = affine_map<(d0, d1) -> (0, 0, 0, 0)>
#map2 = affine_map<(d0, d1) -> (0, 0, 0)>
module attributes {stable_mosaic.version = 14 : i64} {
  func.func @_segsum(%arg0: i32, %arg1: i32, %arg2: memref<10240x128xf32, #tpu.memory_space<hbm>>, %arg3: memref<32x2x40x128xi32, #tpu.memory_space<hbm>>, %arg4: memref<32x2x40x128xi32, #tpu.memory_space<hbm>>, %arg5: memref<2x10240x128xf32, #tpu.memory_space<hbm>>, %arg6: memref<2x40x128xi32, #tpu.memory_space<vmem>>, %arg7: memref<2x128x128xf32, #tpu.memory_space<vmem>>, %arg8: memref<10240x128xf32, #tpu.memory_space<vmem_shared>>, %arg9: memref<!tpu.dma_semaphore, #tpu.memory_space<semaphore_mem>>) attributes {dimension_semantics = [#tpu.dimension_semantics<core_parallel>, #tpu.dimension_semantics<subcore_parallel>], iteration_bounds = array<i64: 2, 16>, scalar_prefetch = 0 : i64, scratch_operands = 4 : i64, tpu.core_type = #tpu.core_type<sc_vector_subcore>, window_params = [{transform_indices = #map}, {transform_indices = #map1}, {transform_indices = #map1}, {transform_indices = #map2}]} {
    %mul3A = arith.constant 16 : i32
    %mul3A_0 = arith.muli %arg0, %mul3A : i32
    %add3A = arith.addi %mul3A_0, %arg1 : i32
    %broadcast_in_dim3A = arith.constant 0.000000e+00 : f32
    %broadcast_in_dim3A_1 = vector.broadcast %broadcast_in_dim3A : f32 to vector<16xf32>
    %scan3A = arith.constant 0 : i32
    %scan3A_2 = arith.constant 0 : i32
    %scan3A_3 = arith.constant 128 : i32
    %scan3A_4 = arith.addi %scan3A_2, %scan3A_3 : i32
    %scan3A_5 = arith.constant 1 : i32
    scf.for %scan3A_24 = %scan3A_2 to %scan3A_4 step %scan3A_5  : i32 {
      %swap3A = arith.constant 0 : i32
      %swap3A_25 = arith.index_cast %swap3A : i32 to index
      %swap3A_26 = arith.index_cast %scan3A_24 : i32 to index
      %swap3A_27 = arith.constant 0 : index
      %swap3A_28 = tpu.vector_load %arg7[%swap3A_25, %swap3A_26, %swap3A_27] {strides = array<i32>} : memref<2x128x128xf32, #tpu.memory_space<vmem>>, vector<1x1x16xf32>,
      %swap3A_29 = vector.shape_cast %swap3A_28 : vector<1x1x16xf32> to vector<16xf32>
      %swap3A_30 = vector.shape_cast %broadcast_in_dim3A_1 : vector<16xf32> to vector<1x1x16xf32>
      tpu.vector_store %arg7[%swap3A_25, %swap3A_26, %swap3A_27], %swap3A_30 {strides = array<i32>} : memref<2x128x128xf32, #tpu.memory_space<vmem>>, vector<1x1x16xf32>,
      %swap3A_31 = arith.constant 0 : i32
      %swap3A_32 = arith.index_cast %swap3A_31 : i32 to index
      %swap3A_33 = arith.index_cast %scan3A_24 : i32 to index
      %swap3A_34 = arith.constant 16 : index
      %swap3A_35 = tpu.vector_load %arg7[%swap3A_32, %swap3A_33, %swap3A_34] {strides = array<i32>} : memref<2x128x128xf32, #tpu.memory_space<vmem>>, vector<1x1x16xf32>,
      %swap3A_36 = vector.shape_cast %swap3A_35 : vector<1x1x16xf32> to vector<16xf32>
      %swap3A_37 = vector.shape_cast %broadcast_in_dim3A_1 : vector<16xf32> to vector<1x1x16xf32>
      tpu.vector_store %arg7[%swap3A_32, %swap3A_33, %swap3A_34], %swap3A_37 {strides = array<i32>} : memref<2x128x128xf32, #tpu.memory_space<vmem>>, vector<1x1x16xf32>,
      %swap3A_38 = arith.constant 0 : i32
      %swap3A_39 = arith.index_cast %swap3A_38 : i32 to index
      %swap3A_40 = arith.index_cast %scan3A_24 : i32 to index
      %swap3A_41 = arith.constant 32 : index
      %swap3A_42 = tpu.vector_load %arg7[%swap3A_39, %swap3A_40, %swap3A_41] {strides = array<i32>} : memref<2x128x128xf32, #tpu.memory_space<vmem>>, vector<1x1x16xf32>,
      %swap3A_43 = vector.shape_cast %swap3A_42 : vector<1x1x16xf32> to vector<16xf32>
      %swap3A_44 = vector.shape_cast %broadcast_in_dim3A_1 : vector<16xf32> to vector<1x1x16xf32>
      tpu.vector_store %arg7[%swap3A_39, %swap3A_40, %swap3A_41], %swap3A_44 {strides = array<i32>} : memref<2x128x128xf32, #tpu.memory_space<vmem>>, vector<1x1x16xf32>,
      %swap3A_45 = arith.constant 0 : i32
      %swap3A_46 = arith.index_cast %swap3A_45 : i32 to index
      %swap3A_47 = arith.index_cast %scan3A_24 : i32 to index
      %swap3A_48 = arith.constant 48 : index
      %swap3A_49 = tpu.vector_load %arg7[%swap3A_46, %swap3A_47, %swap3A_48] {strides = array<i32>} : memref<2x128x128xf32, #tpu.memory_space<vmem>>, vector<1x1x16xf32>,
      %swap3A_50 = vector.shape_cast %swap3A_49 : vector<1x1x16xf32> to vector<16xf32>
      %swap3A_51 = vector.shape_cast %broadcast_in_dim3A_1 : vector<16xf32> to vector<1x1x16xf32>
      tpu.vector_store %arg7[%swap3A_46, %swap3A_47, %swap3A_48], %swap3A_51 {strides = array<i32>} : memref<2x128x128xf32, #tpu.memory_space<vmem>>, vector<1x1x16xf32>,
      %swap3A_52 = arith.constant 0 : i32
      %swap3A_53 = arith.index_cast %swap3A_52 : i32 to index
      %swap3A_54 = arith.index_cast %scan3A_24 : i32 to index
      %swap3A_55 = arith.constant 64 : index
      %swap3A_56 = tpu.vector_load %arg7[%swap3A_53, %swap3A_54, %swap3A_55] {strides = array<i32>} : memref<2x128x128xf32, #tpu.memory_space<vmem>>, vector<1x1x16xf32>,
      %swap3A_57 = vector.shape_cast %swap3A_56 : vector<1x1x16xf32> to vector<16xf32>
      %swap3A_58 = vector.shape_cast %broadcast_in_dim3A_1 : vector<16xf32> to vector<1x1x16xf32>
      tpu.vector_store %arg7[%swap3A_53, %swap3A_54, %swap3A_55], %swap3A_58 {strides = array<i32>} : memref<2x128x128xf32, #tpu.memory_space<vmem>>, vector<1x1x16xf32>,
      %swap3A_59 = arith.constant 0 : i32
      %swap3A_60 = arith.index_cast %swap3A_59 : i32 to index
      %swap3A_61 = arith.index_cast %scan3A_24 : i32 to index
      %swap3A_62 = arith.constant 80 : index
      %swap3A_63 = tpu.vector_load %arg7[%swap3A_60, %swap3A_61, %swap3A_62] {strides = array<i32>} : memref<2x128x128xf32, #tpu.memory_space<vmem>>, vector<1x1x16xf32>,
      %swap3A_64 = vector.shape_cast %swap3A_63 : vector<1x1x16xf32> to vector<16xf32>
      %swap3A_65 = vector.shape_cast %broadcast_in_dim3A_1 : vector<16xf32> to vector<1x1x16xf32>
      tpu.vector_store %arg7[%swap3A_60, %swap3A_61, %swap3A_62], %swap3A_65 {strides = array<i32>} : memref<2x128x128xf32, #tpu.memory_space<vmem>>, vector<1x1x16xf32>,
      %swap3A_66 = arith.constant 0 : i32
      %swap3A_67 = arith.index_cast %swap3A_66 : i32 to index
      %swap3A_68 = arith.index_cast %scan3A_24 : i32 to index
      %swap3A_69 = arith.constant 96 : index
      %swap3A_70 = tpu.vector_load %arg7[%swap3A_67, %swap3A_68, %swap3A_69] {strides = array<i32>} : memref<2x128x128xf32, #tpu.memory_space<vmem>>, vector<1x1x16xf32>,
      %swap3A_71 = vector.shape_cast %swap3A_70 : vector<1x1x16xf32> to vector<16xf32>
      %swap3A_72 = vector.shape_cast %broadcast_in_dim3A_1 : vector<16xf32> to vector<1x1x16xf32>
      tpu.vector_store %arg7[%swap3A_67, %swap3A_68, %swap3A_69], %swap3A_72 {strides = array<i32>} : memref<2x128x128xf32, #tpu.memory_space<vmem>>, vector<1x1x16xf32>,
      %swap3A_73 = arith.constant 0 : i32
      %swap3A_74 = arith.index_cast %swap3A_73 : i32 to index
      %swap3A_75 = arith.index_cast %scan3A_24 : i32 to index
      %swap3A_76 = arith.constant 112 : index
      %swap3A_77 = tpu.vector_load %arg7[%swap3A_74, %swap3A_75, %swap3A_76] {strides = array<i32>} : memref<2x128x128xf32, #tpu.memory_space<vmem>>, vector<1x1x16xf32>,
      %swap3A_78 = vector.shape_cast %swap3A_77 : vector<1x1x16xf32> to vector<16xf32>
      %swap3A_79 = vector.shape_cast %broadcast_in_dim3A_1 : vector<16xf32> to vector<1x1x16xf32>
      tpu.vector_store %arg7[%swap3A_74, %swap3A_75, %swap3A_76], %swap3A_79 {strides = array<i32>} : memref<2x128x128xf32, #tpu.memory_space<vmem>>, vector<1x1x16xf32>,
    }
    %scan3A_6 = arith.constant 128 : i32
    %scan3A_7 = arith.constant 0 : i32
    %scan3A_8 = arith.constant 0 : i32
    %scan3A_9 = arith.constant 5 : i32
    %scan3A_10 = arith.addi %scan3A_8, %scan3A_9 : i32
    %scan3A_11 = arith.constant 1 : i32
    scf.for %scan3A_24 = %scan3A_8 to %scan3A_10 step %scan3A_11  : i32 {
      %mul3A_25 = arith.constant 640 : i32
      %mul3A_26 = arith.muli %arg1, %mul3A_25 : i32
      %mul3A_27 = arith.constant 128 : i32
      %mul3A_28 = arith.muli %scan3A_24, %mul3A_27 : i32
      %add3A_29 = arith.addi %mul3A_26, %mul3A_28 : i32
      %run_scoped3A = arith.constant 0 : i32
      "tpu.region"() ({
        %run_scoped3A_30 = tpu.sem_alloc : memref<!tpu.dma_semaphore, #tpu.memory_space<semaphore_mem>>
        %dma_start3A = arith.constant 0 : i32
        %dma_start3A_31 = arith.constant 0 : i32
        %dma_start3A_32 = tpu.memref_slice %arg7[%run_scoped3A, %dma_start3A, %dma_start3A_31] : memref<2x128x128xf32, #tpu.memory_space<vmem>> -> memref<1x128x128xf32, #tpu.memory_space<vmem>>
        %dma_start3A_33 = tpu.memref_squeeze %dma_start3A_32 : memref<1x128x128xf32, #tpu.memory_space<vmem>> -> memref<128x128xf32, #tpu.memory_space<vmem>>
        %dma_start3A_34 = arith.constant 0 : i32
        %dma_start3A_35 = tpu.memref_slice %arg8[%add3A_29, %dma_start3A_34] : memref<10240x128xf32, #tpu.memory_space<vmem_shared>> -> memref<128x128xf32, #tpu.memory_space<vmem_shared>>
        %dma_start3A_36 = arith.constant 0 : i32
        %dma_start3A_37 = tpu.memref_slice %arg8[%add3A_29, %dma_start3A_36] : memref<10240x128xf32, #tpu.memory_space<vmem_shared>> -> memref<128x128xf32, #tpu.memory_space<vmem_shared>>
        %dma_start3A_38 = arith.constant 0 : i32
        %dma_start3A_39 = arith.constant 0 : i32
        %dma_start3A_40 = tpu.memref_slice %arg7[%run_scoped3A, %dma_start3A_38, %dma_start3A_39] : memref<2x128x128xf32, #tpu.memory_space<vmem>> -> memref<1x128x128xf32, #tpu.memory_space<vmem>>
        %dma_start3A_41 = tpu.memref_squeeze %dma_start3A_40 : memref<1x128x128xf32, #tpu.memory_space<vmem>> -> memref<128x128xf32, #tpu.memory_space<vmem>>
        tpu.enqueue_dma source(%dma_start3A_41 : memref<128x128xf32, #tpu.memory_space<vmem>>) target(%dma_start3A_37 : memref<128x128xf32, #tpu.memory_space<vmem_shared>>) target_semaphore(%run_scoped3A_30 : memref<!tpu.dma_semaphore, #tpu.memory_space<semaphore_mem>>)
        %dma_wait3A = arith.constant 0 : i32
        %dma_wait3A_42 = arith.constant 0 : i32
        %dma_wait3A_43 = tpu.memref_slice %arg7[%run_scoped3A, %dma_wait3A, %dma_wait3A_42] : memref<2x128x128xf32, #tpu.memory_space<vmem>> -> memref<1x128x128xf32, #tpu.memory_space<vmem>>
        %dma_wait3A_44 = tpu.memref_squeeze %dma_wait3A_43 : memref<1x128x128xf32, #tpu.memory_space<vmem>> -> memref<128x128xf32, #tpu.memory_space<vmem>>
        %dma_wait3A_45 = arith.constant 0 : i32
        %dma_wait3A_46 = tpu.memref_slice %arg8[%add3A_29, %dma_wait3A_45] : memref<10240x128xf32, #tpu.memory_space<vmem_shared>> -> memref<128x128xf32, #tpu.memory_space<vmem_shared>>
        %dma_wait3A_47 = arith.constant 0 : i32
        %dma_wait3A_48 = tpu.memref_slice %arg8[%add3A_29, %dma_wait3A_47] : memref<10240x128xf32, #tpu.memory_space<vmem_shared>> -> memref<128x128xf32, #tpu.memory_space<vmem_shared>>
        %dma_wait3A_49 = arith.constant 0 : i32
        %dma_wait3A_50 = arith.constant 0 : i32
        %dma_wait3A_51 = tpu.memref_slice %arg7[%run_scoped3A, %dma_wait3A_49, %dma_wait3A_50] : memref<2x128x128xf32, #tpu.memory_space<vmem>> -> memref<1x128x128xf32, #tpu.memory_space<vmem>>
        %dma_wait3A_52 = tpu.memref_squeeze %dma_wait3A_51 : memref<1x128x128xf32, #tpu.memory_space<vmem>> -> memref<128x128xf32, #tpu.memory_space<vmem>>
        tpu.wait_dma2 semaphore(%run_scoped3A_30 : memref<!tpu.dma_semaphore, #tpu.memory_space<semaphore_mem>>) src(%dma_wait3A_52 : memref<128x128xf32, #tpu.memory_space<vmem>>) dst(%dma_wait3A_48 : memref<128x128xf32, #tpu.memory_space<vmem_shared>>)
        tpu.yield
      }) : () -> ()
    }
    %scan3A_12 = arith.constant 5 : i32
    %barrier3A = arith.constant 0 : index
    tpu.barrier barrier_id(%barrier3A)
    %scan3A_13 = arith.constant 0 : i32
    %scan3A_14 = arith.constant 0 : i32
    %scan3A_15 = arith.constant 2 : i32
    %scan3A_16 = arith.addi %scan3A_14, %scan3A_15 : i32
    %scan3A_17 = arith.constant 1 : i32
    scf.for %scan3A_24 = %scan3A_14 to %scan3A_16 step %scan3A_17  : i32 {
      %run_scoped3A = arith.constant 0 : i32
      "tpu.region"() ({
        %run_scoped3A_48 = tpu.sem_alloc : memref<!tpu.dma_semaphore, #tpu.memory_space<semaphore_mem>>
        %dma_start3A_49 = arith.constant 0 : i32
        %dma_start3A_50 = arith.constant 0 : i32
        %dma_start3A_51 = tpu.memref_slice %arg6[%run_scoped3A, %dma_start3A_49, %dma_start3A_50] : memref<2x40x128xi32, #tpu.memory_space<vmem>> -> memref<1x40x128xi32, #tpu.memory_space<vmem>>
        %dma_start3A_52 = tpu.memref_squeeze %dma_start3A_51 : memref<1x40x128xi32, #tpu.memory_space<vmem>> -> memref<40x128xi32, #tpu.memory_space<vmem>>
        %dma_start3A_53 = arith.constant 0 : i32
        %dma_start3A_54 = arith.constant 0 : i32
        %dma_start3A_55 = arith.constant 0 : i32
        %dma_start3A_56 = tpu.memref_slice %arg3[%add3A, %dma_start3A_53, %dma_start3A_54, %dma_start3A_55] : memref<32x2x40x128xi32, #tpu.memory_space<hbm>> -> memref<1x2x40x128xi32, #tpu.memory_space<hbm>>
        %dma_start3A_57 = tpu.memref_squeeze %dma_start3A_56 : memref<1x2x40x128xi32, #tpu.memory_space<hbm>> -> memref<2x40x128xi32, #tpu.memory_space<hbm>>
        %dma_start3A_58 = arith.constant 0 : i32
        %dma_start3A_59 = arith.constant 0 : i32
        %dma_start3A_60 = tpu.memref_slice %dma_start3A_57[%scan3A_24, %dma_start3A_58, %dma_start3A_59] : memref<2x40x128xi32, #tpu.memory_space<hbm>> -> memref<1x40x128xi32, #tpu.memory_space<hbm>>
        %dma_start3A_61 = tpu.memref_squeeze %dma_start3A_60 : memref<1x40x128xi32, #tpu.memory_space<hbm>> -> memref<40x128xi32, #tpu.memory_space<hbm>>
        %dma_start3A_62 = arith.constant 0 : i32
        %dma_start3A_63 = arith.constant 0 : i32
        %dma_start3A_64 = tpu.memref_slice %arg6[%run_scoped3A, %dma_start3A_62, %dma_start3A_63] : memref<2x40x128xi32, #tpu.memory_space<vmem>> -> memref<1x40x128xi32, #tpu.memory_space<vmem>>
        %dma_start3A_65 = tpu.memref_squeeze %dma_start3A_64 : memref<1x40x128xi32, #tpu.memory_space<vmem>> -> memref<40x128xi32, #tpu.memory_space<vmem>>
        %dma_start3A_66 = arith.constant 0 : i32
        %dma_start3A_67 = arith.constant 0 : i32
        %dma_start3A_68 = arith.constant 0 : i32
        %dma_start3A_69 = tpu.memref_slice %arg3[%add3A, %dma_start3A_66, %dma_start3A_67, %dma_start3A_68] : memref<32x2x40x128xi32, #tpu.memory_space<hbm>> -> memref<1x2x40x128xi32, #tpu.memory_space<hbm>>
        %dma_start3A_70 = tpu.memref_squeeze %dma_start3A_69 : memref<1x2x40x128xi32, #tpu.memory_space<hbm>> -> memref<2x40x128xi32, #tpu.memory_space<hbm>>
        %dma_start3A_71 = arith.constant 0 : i32
        %dma_start3A_72 = arith.constant 0 : i32
        %dma_start3A_73 = tpu.memref_slice %dma_start3A_70[%scan3A_24, %dma_start3A_71, %dma_start3A_72] : memref<2x40x128xi32, #tpu.memory_space<hbm>> -> memref<1x40x128xi32, #tpu.memory_space<hbm>>
        %dma_start3A_74 = tpu.memref_squeeze %dma_start3A_73 : memref<1x40x128xi32, #tpu.memory_space<hbm>> -> memref<40x128xi32, #tpu.memory_space<hbm>>
        tpu.enqueue_dma source(%dma_start3A_74 : memref<40x128xi32, #tpu.memory_space<hbm>>) target(%dma_start3A_65 : memref<40x128xi32, #tpu.memory_space<vmem>>) target_semaphore(%run_scoped3A_48 : memref<!tpu.dma_semaphore, #tpu.memory_space<semaphore_mem>>)
        %dma_wait3A = arith.constant 0 : i32
        %dma_wait3A_75 = arith.constant 0 : i32
        %dma_wait3A_76 = tpu.memref_slice %arg6[%run_scoped3A, %dma_wait3A, %dma_wait3A_75] : memref<2x40x128xi32, #tpu.memory_space<vmem>> -> memref<1x40x128xi32, #tpu.memory_space<vmem>>
        %dma_wait3A_77 = tpu.memref_squeeze %dma_wait3A_76 : memref<1x40x128xi32, #tpu.memory_space<vmem>> -> memref<40x128xi32, #tpu.memory_space<vmem>>
        %dma_wait3A_78 = arith.constant 0 : i32
        %dma_wait3A_79 = arith.constant 0 : i32
        %dma_wait3A_80 = arith.constant 0 : i32
        %dma_wait3A_81 = tpu.memref_slice %arg3[%add3A, %dma_wait3A_78, %dma_wait3A_79, %dma_wait3A_80] : memref<32x2x40x128xi32, #tpu.memory_space<hbm>> -> memref<1x2x40x128xi32, #tpu.memory_space<hbm>>
        %dma_wait3A_82 = tpu.memref_squeeze %dma_wait3A_81 : memref<1x2x40x128xi32, #tpu.memory_space<hbm>> -> memref<2x40x128xi32, #tpu.memory_space<hbm>>
        %dma_wait3A_83 = arith.constant 0 : i32
        %dma_wait3A_84 = arith.constant 0 : i32
        %dma_wait3A_85 = tpu.memref_slice %dma_wait3A_82[%scan3A_24, %dma_wait3A_83, %dma_wait3A_84] : memref<2x40x128xi32, #tpu.memory_space<hbm>> -> memref<1x40x128xi32, #tpu.memory_space<hbm>>
        %dma_wait3A_86 = tpu.memref_squeeze %dma_wait3A_85 : memref<1x40x128xi32, #tpu.memory_space<hbm>> -> memref<40x128xi32, #tpu.memory_space<hbm>>
        %dma_wait3A_87 = arith.constant 0 : i32
        %dma_wait3A_88 = arith.constant 0 : i32
        %dma_wait3A_89 = tpu.memref_slice %arg6[%run_scoped3A, %dma_wait3A_87, %dma_wait3A_88] : memref<2x40x128xi32, #tpu.memory_space<vmem>> -> memref<1x40x128xi32, #tpu.memory_space<vmem>>
        %dma_wait3A_90 = tpu.memref_squeeze %dma_wait3A_89 : memref<1x40x128xi32, #tpu.memory_space<vmem>> -> memref<40x128xi32, #tpu.memory_space<vmem>>
        %dma_wait3A_91 = arith.constant 0 : i32
        %dma_wait3A_92 = arith.constant 0 : i32
        %dma_wait3A_93 = arith.constant 0 : i32
        %dma_wait3A_94 = tpu.memref_slice %arg3[%add3A, %dma_wait3A_91, %dma_wait3A_92, %dma_wait3A_93] : memref<32x2x40x128xi32, #tpu.memory_space<hbm>> -> memref<1x2x40x128xi32, #tpu.memory_space<hbm>>
        %dma_wait3A_95 = tpu.memref_squeeze %dma_wait3A_94 : memref<1x2x40x128xi32, #tpu.memory_space<hbm>> -> memref<2x40x128xi32, #tpu.memory_space<hbm>>
        %dma_wait3A_96 = arith.constant 0 : i32
        %dma_wait3A_97 = arith.constant 0 : i32
        %dma_wait3A_98 = tpu.memref_slice %dma_wait3A_95[%scan3A_24, %dma_wait3A_96, %dma_wait3A_97] : memref<2x40x128xi32, #tpu.memory_space<hbm>> -> memref<1x40x128xi32, #tpu.memory_space<hbm>>
        %dma_wait3A_99 = tpu.memref_squeeze %dma_wait3A_98 : memref<1x40x128xi32, #tpu.memory_space<hbm>> -> memref<40x128xi32, #tpu.memory_space<hbm>>
        tpu.wait_dma2 semaphore(%run_scoped3A_48 : memref<!tpu.dma_semaphore, #tpu.memory_space<semaphore_mem>>) src(%dma_wait3A_99 : memref<40x128xi32, #tpu.memory_space<hbm>>) dst(%dma_wait3A_90 : memref<40x128xi32, #tpu.memory_space<vmem>>)
        tpu.yield
      }) : () -> ()
      %run_scoped3A_25 = arith.constant 1 : i32
      "tpu.region"() ({
        %run_scoped3A_48 = tpu.sem_alloc : memref<!tpu.dma_semaphore, #tpu.memory_space<semaphore_mem>>
        %dma_start3A_49 = arith.constant 0 : i32
        %dma_start3A_50 = arith.constant 0 : i32
        %dma_start3A_51 = tpu.memref_slice %arg6[%run_scoped3A_25, %dma_start3A_49, %dma_start3A_50] : memref<2x40x128xi32, #tpu.memory_space<vmem>> -> memref<1x40x128xi32, #tpu.memory_space<vmem>>
        %dma_start3A_52 = tpu.memref_squeeze %dma_start3A_51 : memref<1x40x128xi32, #tpu.memory_space<vmem>> -> memref<40x128xi32, #tpu.memory_space<vmem>>
        %dma_start3A_53 = arith.constant 0 : i32
        %dma_start3A_54 = arith.constant 0 : i32
        %dma_start3A_55 = arith.constant 0 : i32
        %dma_start3A_56 = tpu.memref_slice %arg4[%add3A, %dma_start3A_53, %dma_start3A_54, %dma_start3A_55] : memref<32x2x40x128xi32, #tpu.memory_space<hbm>> -> memref<1x2x40x128xi32, #tpu.memory_space<hbm>>
        %dma_start3A_57 = tpu.memref_squeeze %dma_start3A_56 : memref<1x2x40x128xi32, #tpu.memory_space<hbm>> -> memref<2x40x128xi32, #tpu.memory_space<hbm>>
        %dma_start3A_58 = arith.constant 0 : i32
        %dma_start3A_59 = arith.constant 0 : i32
        %dma_start3A_60 = tpu.memref_slice %dma_start3A_57[%scan3A_24, %dma_start3A_58, %dma_start3A_59] : memref<2x40x128xi32, #tpu.memory_space<hbm>> -> memref<1x40x128xi32, #tpu.memory_space<hbm>>
        %dma_start3A_61 = tpu.memref_squeeze %dma_start3A_60 : memref<1x40x128xi32, #tpu.memory_space<hbm>> -> memref<40x128xi32, #tpu.memory_space<hbm>>
        %dma_start3A_62 = arith.constant 0 : i32
        %dma_start3A_63 = arith.constant 0 : i32
        %dma_start3A_64 = tpu.memref_slice %arg6[%run_scoped3A_25, %dma_start3A_62, %dma_start3A_63] : memref<2x40x128xi32, #tpu.memory_space<vmem>> -> memref<1x40x128xi32, #tpu.memory_space<vmem>>
        %dma_start3A_65 = tpu.memref_squeeze %dma_start3A_64 : memref<1x40x128xi32, #tpu.memory_space<vmem>> -> memref<40x128xi32, #tpu.memory_space<vmem>>
        %dma_start3A_66 = arith.constant 0 : i32
        %dma_start3A_67 = arith.constant 0 : i32
        %dma_start3A_68 = arith.constant 0 : i32
        %dma_start3A_69 = tpu.memref_slice %arg4[%add3A, %dma_start3A_66, %dma_start3A_67, %dma_start3A_68] : memref<32x2x40x128xi32, #tpu.memory_space<hbm>> -> memref<1x2x40x128xi32, #tpu.memory_space<hbm>>
        %dma_start3A_70 = tpu.memref_squeeze %dma_start3A_69 : memref<1x2x40x128xi32, #tpu.memory_space<hbm>> -> memref<2x40x128xi32, #tpu.memory_space<hbm>>
        %dma_start3A_71 = arith.constant 0 : i32
        %dma_start3A_72 = arith.constant 0 : i32
        %dma_start3A_73 = tpu.memref_slice %dma_start3A_70[%scan3A_24, %dma_start3A_71, %dma_start3A_72] : memref<2x40x128xi32, #tpu.memory_space<hbm>> -> memref<1x40x128xi32, #tpu.memory_space<hbm>>
        %dma_start3A_74 = tpu.memref_squeeze %dma_start3A_73 : memref<1x40x128xi32, #tpu.memory_space<hbm>> -> memref<40x128xi32, #tpu.memory_space<hbm>>
        tpu.enqueue_dma source(%dma_start3A_74 : memref<40x128xi32, #tpu.memory_space<hbm>>) target(%dma_start3A_65 : memref<40x128xi32, #tpu.memory_space<vmem>>) target_semaphore(%run_scoped3A_48 : memref<!tpu.dma_semaphore, #tpu.memory_space<semaphore_mem>>)
        %dma_wait3A = arith.constant 0 : i32
        %dma_wait3A_75 = arith.constant 0 : i32
        %dma_wait3A_76 = tpu.memref_slice %arg6[%run_scoped3A_25, %dma_wait3A, %dma_wait3A_75] : memref<2x40x128xi32, #tpu.memory_space<vmem>> -> memref<1x40x128xi32, #tpu.memory_space<vmem>>
        %dma_wait3A_77 = tpu.memref_squeeze %dma_wait3A_76 : memref<1x40x128xi32, #tpu.memory_space<vmem>> -> memref<40x128xi32, #tpu.memory_space<vmem>>
        %dma_wait3A_78 = arith.constant 0 : i32
        %dma_wait3A_79 = arith.constant 0 : i32
        %dma_wait3A_80 = arith.constant 0 : i32
        %dma_wait3A_81 = tpu.memref_slice %arg4[%add3A, %dma_wait3A_78, %dma_wait3A_79, %dma_wait3A_80] : memref<32x2x40x128xi32, #tpu.memory_space<hbm>> -> memref<1x2x40x128xi32, #tpu.memory_space<hbm>>
        %dma_wait3A_82 = tpu.memref_squeeze %dma_wait3A_81 : memref<1x2x40x128xi32, #tpu.memory_space<hbm>> -> memref<2x40x128xi32, #tpu.memory_space<hbm>>
        %dma_wait3A_83 = arith.constant 0 : i32
        %dma_wait3A_84 = arith.constant 0 : i32
        %dma_wait3A_85 = tpu.memref_slice %dma_wait3A_82[%scan3A_24, %dma_wait3A_83, %dma_wait3A_84] : memref<2x40x128xi32, #tpu.memory_space<hbm>> -> memref<1x40x128xi32, #tpu.memory_space<hbm>>
        %dma_wait3A_86 = tpu.memref_squeeze %dma_wait3A_85 : memref<1x40x128xi32, #tpu.memory_space<hbm>> -> memref<40x128xi32, #tpu.memory_space<hbm>>
        %dma_wait3A_87 = arith.constant 0 : i32
        %dma_wait3A_88 = arith.constant 0 : i32
        %dma_wait3A_89 = tpu.memref_slice %arg6[%run_scoped3A_25, %dma_wait3A_87, %dma_wait3A_88] : memref<2x40x128xi32, #tpu.memory_space<vmem>> -> memref<1x40x128xi32, #tpu.memory_space<vmem>>
        %dma_wait3A_90 = tpu.memref_squeeze %dma_wait3A_89 : memref<1x40x128xi32, #tpu.memory_space<vmem>> -> memref<40x128xi32, #tpu.memory_space<vmem>>
        %dma_wait3A_91 = arith.constant 0 : i32
        %dma_wait3A_92 = arith.constant 0 : i32
        %dma_wait3A_93 = arith.constant 0 : i32
        %dma_wait3A_94 = tpu.memref_slice %arg4[%add3A, %dma_wait3A_91, %dma_wait3A_92, %dma_wait3A_93] : memref<32x2x40x128xi32, #tpu.memory_space<hbm>> -> memref<1x2x40x128xi32, #tpu.memory_space<hbm>>
        %dma_wait3A_95 = tpu.memref_squeeze %dma_wait3A_94 : memref<1x2x40x128xi32, #tpu.memory_space<hbm>> -> memref<2x40x128xi32, #tpu.memory_space<hbm>>
        %dma_wait3A_96 = arith.constant 0 : i32
        %dma_wait3A_97 = arith.constant 0 : i32
        %dma_wait3A_98 = tpu.memref_slice %dma_wait3A_95[%scan3A_24, %dma_wait3A_96, %dma_wait3A_97] : memref<2x40x128xi32, #tpu.memory_space<hbm>> -> memref<1x40x128xi32, #tpu.memory_space<hbm>>
        %dma_wait3A_99 = tpu.memref_squeeze %dma_wait3A_98 : memref<1x40x128xi32, #tpu.memory_space<hbm>> -> memref<40x128xi32, #tpu.memory_space<hbm>>
        tpu.wait_dma2 semaphore(%run_scoped3A_48 : memref<!tpu.dma_semaphore, #tpu.memory_space<semaphore_mem>>) src(%dma_wait3A_99 : memref<40x128xi32, #tpu.memory_space<hbm>>) dst(%dma_wait3A_90 : memref<40x128xi32, #tpu.memory_space<vmem>>)
        tpu.yield
      }) : () -> ()
      %dma_start3A = arith.constant 0 : i32
      %dma_start3A_26 = arith.constant 0 : i32
      %dma_start3A_27 = arith.constant 0 : i32
      %dma_start3A_28 = arith.constant 0 : i32
      %dma_start3A_29 = arith.constant 0 : i32
      %dma_start3A_30 = tpu.memref_slice %arg7[%dma_start3A_27, %dma_start3A_28, %dma_start3A_29] : memref<2x128x128xf32, #tpu.memory_space<vmem>> -> memref<1x128x128xf32, #tpu.memory_space<vmem>>
      %dma_start3A_31 = tpu.memref_squeeze %dma_start3A_30 : memref<1x128x128xf32, #tpu.memory_space<vmem>> -> memref<128x128xf32, #tpu.memory_space<vmem>>
      %dma_start3A_32 = arith.constant 0 : i32
      %dma_start3A_33 = arith.constant 0 : i32
      %dma_start3A_34 = tpu.memref_slice %arg6[%dma_start3A, %dma_start3A_32, %dma_start3A_33] : memref<2x40x128xi32, #tpu.memory_space<vmem>> -> memref<1x40x128xi32, #tpu.memory_space<vmem>>
      %dma_start3A_35 = tpu.memref_squeeze %dma_start3A_34 : memref<1x40x128xi32, #tpu.memory_space<vmem>> -> memref<40x128xi32, #tpu.memory_space<vmem>>
      %dma_start3A_36 = arith.constant 0 : i32
      %dma_start3A_37 = tpu.memref_slice %dma_start3A_35[%dma_start3A_26, %dma_start3A_36] : memref<40x128xi32, #tpu.memory_space<vmem>> -> memref<1x128xi32, #tpu.memory_space<vmem>>
      %dma_start3A_38 = tpu.memref_squeeze %dma_start3A_37 : memref<1x128xi32, #tpu.memory_space<vmem>> -> memref<128xi32, #tpu.memory_space<vmem>>
      %dma_start3A_39 = arith.constant 0 : i32
      %dma_start3A_40 = arith.constant 0 : i32
      %dma_start3A_41 = tpu.memref_slice %arg2[%dma_start3A_39, %dma_start3A_40] : memref<10240x128xf32, #tpu.memory_space<hbm>> -> memref<10240x128xf32, #tpu.memory_space<hbm>>
      tpu.enqueue_indirect_dma source(%dma_start3A_41 : memref<10240x128xf32, #tpu.memory_space<hbm>>) target(%dma_start3A_31 : memref<128x128xf32, #tpu.memory_space<vmem>>) offsets(%dma_start3A_38 : memref<128xi32, #tpu.memory_space<vmem>>) semaphore(%arg9 : memref<!tpu.dma_semaphore, #tpu.memory_space<semaphore_mem>>)
      %scan3A_42 = arith.constant 0 : i32
      %scan3A_43 = arith.constant 0 : i32
      %scan3A_44 = arith.constant 20 : i32
      %scan3A_45 = arith.addi %scan3A_43, %scan3A_44 : i32
      %scan3A_46 = arith.constant 1 : i32
      scf.for %scan3A_48 = %scan3A_43 to %scan3A_45 step %scan3A_46  : i32 {
        %mul3A_49 = arith.constant 2 : i32
        %mul3A_50 = arith.muli %mul3A_49, %scan3A_48 : i32
        %dma_wait3A = arith.constant 0 : i32
        %dma_wait3A_51 = arith.constant 0 : i32
        %dma_wait3A_52 = arith.constant 0 : i32
        %dma_wait3A_53 = arith.constant 0 : i32
        %dma_wait3A_54 = tpu.memref_slice %arg7[%dma_wait3A_51, %dma_wait3A_52, %dma_wait3A_53] : memref<2x128x128xf32, #tpu.memory_space<vmem>> -> memref<1x128x128xf32, #tpu.memory_space<vmem>>
        %dma_wait3A_55 = tpu.memref_squeeze %dma_wait3A_54 : memref<1x128x128xf32, #tpu.memory_space<vmem>> -> memref<128x128xf32, #tpu.memory_space<vmem>>
        %dma_wait3A_56 = arith.constant 0 : i32
        %dma_wait3A_57 = arith.constant 0 : i32
        %dma_wait3A_58 = tpu.memref_slice %arg6[%dma_wait3A, %dma_wait3A_56, %dma_wait3A_57] : memref<2x40x128xi32, #tpu.memory_space<vmem>> -> memref<1x40x128xi32, #tpu.memory_space<vmem>>
        %dma_wait3A_59 = tpu.memref_squeeze %dma_wait3A_58 : memref<1x40x128xi32, #tpu.memory_space<vmem>> -> memref<40x128xi32, #tpu.memory_space<vmem>>
        %dma_wait3A_60 = arith.constant 0 : i32
        %dma_wait3A_61 = tpu.memref_slice %dma_wait3A_59[%mul3A_50, %dma_wait3A_60] : memref<40x128xi32, #tpu.memory_space<vmem>> -> memref<1x128xi32, #tpu.memory_space<vmem>>
        %dma_wait3A_62 = tpu.memref_squeeze %dma_wait3A_61 : memref<1x128xi32, #tpu.memory_space<vmem>> -> memref<128xi32, #tpu.memory_space<vmem>>
        %dma_wait3A_63 = arith.constant 0 : i32
        %dma_wait3A_64 = arith.constant 0 : i32
        %dma_wait3A_65 = tpu.memref_slice %arg2[%dma_wait3A_63, %dma_wait3A_64] : memref<10240x128xf32, #tpu.memory_space<hbm>> -> memref<10240x128xf32, #tpu.memory_space<hbm>>
        tpu.wait_indirect_dma semaphore(%arg9 : memref<!tpu.dma_semaphore, #tpu.memory_space<semaphore_mem>>) src(%dma_wait3A_65 : memref<10240x128xf32, #tpu.memory_space<hbm>>) dst(%dma_wait3A_55 : memref<128x128xf32, #tpu.memory_space<vmem>>)
        %add3A_66 = arith.constant 1 : i32
        %add3A_67 = arith.addi %mul3A_50, %add3A_66 : i32
        %dma_start3A_68 = arith.constant 0 : i32
        %dma_start3A_69 = arith.constant 1 : i32
        %dma_start3A_70 = arith.constant 0 : i32
        %dma_start3A_71 = arith.constant 0 : i32
        %dma_start3A_72 = tpu.memref_slice %arg7[%dma_start3A_69, %dma_start3A_70, %dma_start3A_71] : memref<2x128x128xf32, #tpu.memory_space<vmem>> -> memref<1x128x128xf32, #tpu.memory_space<vmem>>
        %dma_start3A_73 = tpu.memref_squeeze %dma_start3A_72 : memref<1x128x128xf32, #tpu.memory_space<vmem>> -> memref<128x128xf32, #tpu.memory_space<vmem>>
        %dma_start3A_74 = arith.constant 0 : i32
        %dma_start3A_75 = arith.constant 0 : i32
        %dma_start3A_76 = tpu.memref_slice %arg6[%dma_start3A_68, %dma_start3A_74, %dma_start3A_75] : memref<2x40x128xi32, #tpu.memory_space<vmem>> -> memref<1x40x128xi32, #tpu.memory_space<vmem>>
        %dma_start3A_77 = tpu.memref_squeeze %dma_start3A_76 : memref<1x40x128xi32, #tpu.memory_space<vmem>> -> memref<40x128xi32, #tpu.memory_space<vmem>>
        %dma_start3A_78 = arith.constant 0 : i32
        %dma_start3A_79 = tpu.memref_slice %dma_start3A_77[%add3A_67, %dma_start3A_78] : memref<40x128xi32, #tpu.memory_space<vmem>> -> memref<1x128xi32, #tpu.memory_space<vmem>>
        %dma_start3A_80 = tpu.memref_squeeze %dma_start3A_79 : memref<1x128xi32, #tpu.memory_space<vmem>> -> memref<128xi32, #tpu.memory_space<vmem>>
        %dma_start3A_81 = arith.constant 0 : i32
        %dma_start3A_82 = arith.constant 0 : i32
        %dma_start3A_83 = tpu.memref_slice %arg2[%dma_start3A_81, %dma_start3A_82] : memref<10240x128xf32, #tpu.memory_space<hbm>> -> memref<10240x128xf32, #tpu.memory_space<hbm>>
        tpu.enqueue_indirect_dma source(%dma_start3A_83 : memref<10240x128xf32, #tpu.memory_space<hbm>>) target(%dma_start3A_73 : memref<128x128xf32, #tpu.memory_space<vmem>>) offsets(%dma_start3A_80 : memref<128xi32, #tpu.memory_space<vmem>>) semaphore(%arg9 : memref<!tpu.dma_semaphore, #tpu.memory_space<semaphore_mem>>)
        %run_scoped3A_84 = arith.constant 0 : i32
        %run_scoped3A_85 = arith.constant 1 : i32
        "tpu.region"() ({
          %run_scoped3A_112 = tpu.sem_alloc : memref<!tpu.dma_semaphore, #tpu.memory_space<semaphore_mem>>
          %dma_start3A_113 = arith.constant 0 : i32
          %dma_start3A_114 = arith.constant 0 : i32
          %dma_start3A_115 = tpu.memref_slice %arg7[%run_scoped3A_84, %dma_start3A_113, %dma_start3A_114] : memref<2x128x128xf32, #tpu.memory_space<vmem>> -> memref<1x128x128xf32, #tpu.memory_space<vmem>>
          %dma_start3A_116 = tpu.memref_squeeze %dma_start3A_115 : memref<1x128x128xf32, #tpu.memory_space<vmem>> -> memref<128x128xf32, #tpu.memory_space<vmem>>
          %dma_start3A_117 = arith.constant 0 : i32
          %dma_start3A_118 = arith.constant 0 : i32
          %dma_start3A_119 = tpu.memref_slice %arg6[%run_scoped3A_85, %dma_start3A_117, %dma_start3A_118] : memref<2x40x128xi32, #tpu.memory_space<vmem>> -> memref<1x40x128xi32, #tpu.memory_space<vmem>>
          %dma_start3A_120 = tpu.memref_squeeze %dma_start3A_119 : memref<1x40x128xi32, #tpu.memory_space<vmem>> -> memref<40x128xi32, #tpu.memory_space<vmem>>
          %dma_start3A_121 = arith.constant 0 : i32
          %dma_start3A_122 = tpu.memref_slice %dma_start3A_120[%mul3A_50, %dma_start3A_121] : memref<40x128xi32, #tpu.memory_space<vmem>> -> memref<1x128xi32, #tpu.memory_space<vmem>>
          %dma_start3A_123 = tpu.memref_squeeze %dma_start3A_122 : memref<1x128xi32, #tpu.memory_space<vmem>> -> memref<128xi32, #tpu.memory_space<vmem>>
          %dma_start3A_124 = arith.constant 0 : i32
          %dma_start3A_125 = arith.constant 0 : i32
          %dma_start3A_126 = tpu.memref_slice %arg8[%dma_start3A_124, %dma_start3A_125] : memref<10240x128xf32, #tpu.memory_space<vmem_shared>> -> memref<10240x128xf32, #tpu.memory_space<vmem_shared>>
          tpu.enqueue_indirect_dma source(%dma_start3A_116 : memref<128x128xf32, #tpu.memory_space<vmem>>) target(%dma_start3A_126 : memref<10240x128xf32, #tpu.memory_space<vmem_shared>>) offsets(%dma_start3A_123 : memref<128xi32, #tpu.memory_space<vmem>>) semaphore(%run_scoped3A_112 : memref<!tpu.dma_semaphore, #tpu.memory_space<semaphore_mem>>) {add = true}
          %dma_wait3A_127 = arith.constant 0 : i32
          %dma_wait3A_128 = arith.constant 0 : i32
          %dma_wait3A_129 = tpu.memref_slice %arg7[%run_scoped3A_84, %dma_wait3A_127, %dma_wait3A_128] : memref<2x128x128xf32, #tpu.memory_space<vmem>> -> memref<1x128x128xf32, #tpu.memory_space<vmem>>
          %dma_wait3A_130 = tpu.memref_squeeze %dma_wait3A_129 : memref<1x128x128xf32, #tpu.memory_space<vmem>> -> memref<128x128xf32, #tpu.memory_space<vmem>>
          %dma_wait3A_131 = arith.constant 0 : i32
          %dma_wait3A_132 = arith.constant 0 : i32
          %dma_wait3A_133 = tpu.memref_slice %arg6[%run_scoped3A_85, %dma_wait3A_131, %dma_wait3A_132] : memref<2x40x128xi32, #tpu.memory_space<vmem>> -> memref<1x40x128xi32, #tpu.memory_space<vmem>>
          %dma_wait3A_134 = tpu.memref_squeeze %dma_wait3A_133 : memref<1x40x128xi32, #tpu.memory_space<vmem>> -> memref<40x128xi32, #tpu.memory_space<vmem>>
          %dma_wait3A_135 = arith.constant 0 : i32
          %dma_wait3A_136 = tpu.memref_slice %dma_wait3A_134[%mul3A_50, %dma_wait3A_135] : memref<40x128xi32, #tpu.memory_space<vmem>> -> memref<1x128xi32, #tpu.memory_space<vmem>>
          %dma_wait3A_137 = tpu.memref_squeeze %dma_wait3A_136 : memref<1x128xi32, #tpu.memory_space<vmem>> -> memref<128xi32, #tpu.memory_space<vmem>>
          %dma_wait3A_138 = arith.constant 0 : i32
          %dma_wait3A_139 = arith.constant 0 : i32
          %dma_wait3A_140 = tpu.memref_slice %arg8[%dma_wait3A_138, %dma_wait3A_139] : memref<10240x128xf32, #tpu.memory_space<vmem_shared>> -> memref<10240x128xf32, #tpu.memory_space<vmem_shared>>
          tpu.wait_indirect_dma semaphore(%run_scoped3A_112 : memref<!tpu.dma_semaphore, #tpu.memory_space<semaphore_mem>>) src(%dma_wait3A_130 : memref<128x128xf32, #tpu.memory_space<vmem>>) dst(%dma_wait3A_140 : memref<10240x128xf32, #tpu.memory_space<vmem_shared>>)
          tpu.yield
        }) : () -> ()
        %add3A_86 = arith.constant 1 : i32
        %add3A_87 = arith.addi %mul3A_50, %add3A_86 : i32
        %dma_wait3A_88 = arith.constant 0 : i32
        %dma_wait3A_89 = arith.constant 1 : i32
        %dma_wait3A_90 = arith.constant 0 : i32
        %dma_wait3A_91 = arith.constant 0 : i32
        %dma_wait3A_92 = tpu.memref_slice %arg7[%dma_wait3A_89, %dma_wait3A_90, %dma_wait3A_91] : memref<2x128x128xf32, #tpu.memory_space<vmem>> -> memref<1x128x128xf32, #tpu.memory_space<vmem>>
        %dma_wait3A_93 = tpu.memref_squeeze %dma_wait3A_92 : memref<1x128x128xf32, #tpu.memory_space<vmem>> -> memref<128x128xf32, #tpu.memory_space<vmem>>
        %dma_wait3A_94 = arith.constant 0 : i32
        %dma_wait3A_95 = arith.constant 0 : i32
        %dma_wait3A_96 = tpu.memref_slice %arg6[%dma_wait3A_88, %dma_wait3A_94, %dma_wait3A_95] : memref<2x40x128xi32, #tpu.memory_space<vmem>> -> memref<1x40x128xi32, #tpu.memory_space<vmem>>
        %dma_wait3A_97 = tpu.memref_squeeze %dma_wait3A_96 : memref<1x40x128xi32, #tpu.memory_space<vmem>> -> memref<40x128xi32, #tpu.memory_space<vmem>>
        %dma_wait3A_98 = arith.constant 0 : i32
        %dma_wait3A_99 = tpu.memref_slice %dma_wait3A_97[%add3A_87, %dma_wait3A_98] : memref<40x128xi32, #tpu.memory_space<vmem>> -> memref<1x128xi32, #tpu.memory_space<vmem>>
        %dma_wait3A_100 = tpu.memref_squeeze %dma_wait3A_99 : memref<1x128xi32, #tpu.memory_space<vmem>> -> memref<128xi32, #tpu.memory_space<vmem>>
        %dma_wait3A_101 = arith.constant 0 : i32
        %dma_wait3A_102 = arith.constant 0 : i32
        %dma_wait3A_103 = tpu.memref_slice %arg2[%dma_wait3A_101, %dma_wait3A_102] : memref<10240x128xf32, #tpu.memory_space<hbm>> -> memref<10240x128xf32, #tpu.memory_space<hbm>>
        tpu.wait_indirect_dma semaphore(%arg9 : memref<!tpu.dma_semaphore, #tpu.memory_space<semaphore_mem>>) src(%dma_wait3A_103 : memref<10240x128xf32, #tpu.memory_space<hbm>>) dst(%dma_wait3A_93 : memref<128x128xf32, #tpu.memory_space<vmem>>)
        %add3A_104 = arith.constant 1 : i32
        %add3A_105 = arith.addi %scan3A_48, %add3A_104 : i32
        %lt3A = arith.constant 20 : i32
        %lt3A_106 = arith.cmpi slt, %add3A_105, %lt3A : i32
        %convert_element_type3A = arith.extui %lt3A_106 : i1 to i32
        %cond3A = arith.constant 0 : i32
        %cond3A_107 = arith.cmpi ne, %convert_element_type3A, %cond3A : i32
        scf.if %cond3A_107 {
          %add3A_112 = arith.constant 2 : i32
          %add3A_113 = arith.addi %mul3A_50, %add3A_112 : i32
          %dma_start3A_114 = arith.constant 0 : i32
          %dma_start3A_115 = arith.constant 0 : i32
          %dma_start3A_116 = arith.constant 0 : i32
          %dma_start3A_117 = arith.constant 0 : i32
          %dma_start3A_118 = tpu.memref_slice %arg7[%dma_start3A_115, %dma_start3A_116, %dma_start3A_117] : memref<2x128x128xf32, #tpu.memory_space<vmem>> -> memref<1x128x128xf32, #tpu.memory_space<vmem>>
          %dma_start3A_119 = tpu.memref_squeeze %dma_start3A_118 : memref<1x128x128xf32, #tpu.memory_space<vmem>> -> memref<128x128xf32, #tpu.memory_space<vmem>>
          %dma_start3A_120 = arith.constant 0 : i32
          %dma_start3A_121 = arith.constant 0 : i32
          %dma_start3A_122 = tpu.memref_slice %arg6[%dma_start3A_114, %dma_start3A_120, %dma_start3A_121] : memref<2x40x128xi32, #tpu.memory_space<vmem>> -> memref<1x40x128xi32, #tpu.memory_space<vmem>>
          %dma_start3A_123 = tpu.memref_squeeze %dma_start3A_122 : memref<1x40x128xi32, #tpu.memory_space<vmem>> -> memref<40x128xi32, #tpu.memory_space<vmem>>
          %dma_start3A_124 = arith.constant 0 : i32
          %dma_start3A_125 = tpu.memref_slice %dma_start3A_123[%add3A_113, %dma_start3A_124] : memref<40x128xi32, #tpu.memory_space<vmem>> -> memref<1x128xi32, #tpu.memory_space<vmem>>
          %dma_start3A_126 = tpu.memref_squeeze %dma_start3A_125 : memref<1x128xi32, #tpu.memory_space<vmem>> -> memref<128xi32, #tpu.memory_space<vmem>>
          %dma_start3A_127 = arith.constant 0 : i32
          %dma_start3A_128 = arith.constant 0 : i32
          %dma_start3A_129 = tpu.memref_slice %arg2[%dma_start3A_127, %dma_start3A_128] : memref<10240x128xf32, #tpu.memory_space<hbm>> -> memref<10240x128xf32, #tpu.memory_space<hbm>>
          tpu.enqueue_indirect_dma source(%dma_start3A_129 : memref<10240x128xf32, #tpu.memory_space<hbm>>) target(%dma_start3A_119 : memref<128x128xf32, #tpu.memory_space<vmem>>) offsets(%dma_start3A_126 : memref<128xi32, #tpu.memory_space<vmem>>) semaphore(%arg9 : memref<!tpu.dma_semaphore, #tpu.memory_space<semaphore_mem>>)
        } else {
        }
        %add3A_108 = arith.constant 1 : i32
        %add3A_109 = arith.addi %mul3A_50, %add3A_108 : i32
        %run_scoped3A_110 = arith.constant 1 : i32
        %run_scoped3A_111 = arith.constant 1 : i32
        "tpu.region"() ({
          %run_scoped3A_112 = tpu.sem_alloc : memref<!tpu.dma_semaphore, #tpu.memory_space<semaphore_mem>>
          %dma_start3A_113 = arith.constant 0 : i32
          %dma_start3A_114 = arith.constant 0 : i32
          %dma_start3A_115 = tpu.memref_slice %arg7[%run_scoped3A_110, %dma_start3A_113, %dma_start3A_114] : memref<2x128x128xf32, #tpu.memory_space<vmem>> -> memref<1x128x128xf32, #tpu.memory_space<vmem>>
          %dma_start3A_116 = tpu.memref_squeeze %dma_start3A_115 : memref<1x128x128xf32, #tpu.memory_space<vmem>> -> memref<128x128xf32, #tpu.memory_space<vmem>>
          %dma_start3A_117 = arith.constant 0 : i32
          %dma_start3A_118 = arith.constant 0 : i32
          %dma_start3A_119 = tpu.memref_slice %arg6[%run_scoped3A_111, %dma_start3A_117, %dma_start3A_118] : memref<2x40x128xi32, #tpu.memory_space<vmem>> -> memref<1x40x128xi32, #tpu.memory_space<vmem>>
          %dma_start3A_120 = tpu.memref_squeeze %dma_start3A_119 : memref<1x40x128xi32, #tpu.memory_space<vmem>> -> memref<40x128xi32, #tpu.memory_space<vmem>>
          %dma_start3A_121 = arith.constant 0 : i32
          %dma_start3A_122 = tpu.memref_slice %dma_start3A_120[%add3A_109, %dma_start3A_121] : memref<40x128xi32, #tpu.memory_space<vmem>> -> memref<1x128xi32, #tpu.memory_space<vmem>>
          %dma_start3A_123 = tpu.memref_squeeze %dma_start3A_122 : memref<1x128xi32, #tpu.memory_space<vmem>> -> memref<128xi32, #tpu.memory_space<vmem>>
          %dma_start3A_124 = arith.constant 0 : i32
          %dma_start3A_125 = arith.constant 0 : i32
          %dma_start3A_126 = tpu.memref_slice %arg8[%dma_start3A_124, %dma_start3A_125] : memref<10240x128xf32, #tpu.memory_space<vmem_shared>> -> memref<10240x128xf32, #tpu.memory_space<vmem_shared>>
          tpu.enqueue_indirect_dma source(%dma_start3A_116 : memref<128x128xf32, #tpu.memory_space<vmem>>) target(%dma_start3A_126 : memref<10240x128xf32, #tpu.memory_space<vmem_shared>>) offsets(%dma_start3A_123 : memref<128xi32, #tpu.memory_space<vmem>>) semaphore(%run_scoped3A_112 : memref<!tpu.dma_semaphore, #tpu.memory_space<semaphore_mem>>) {add = true}
          %dma_wait3A_127 = arith.constant 0 : i32
          %dma_wait3A_128 = arith.constant 0 : i32
          %dma_wait3A_129 = tpu.memref_slice %arg7[%run_scoped3A_110, %dma_wait3A_127, %dma_wait3A_128] : memref<2x128x128xf32, #tpu.memory_space<vmem>> -> memref<1x128x128xf32, #tpu.memory_space<vmem>>
          %dma_wait3A_130 = tpu.memref_squeeze %dma_wait3A_129 : memref<1x128x128xf32, #tpu.memory_space<vmem>> -> memref<128x128xf32, #tpu.memory_space<vmem>>
          %dma_wait3A_131 = arith.constant 0 : i32
          %dma_wait3A_132 = arith.constant 0 : i32
          %dma_wait3A_133 = tpu.memref_slice %arg6[%run_scoped3A_111, %dma_wait3A_131, %dma_wait3A_132] : memref<2x40x128xi32, #tpu.memory_space<vmem>> -> memref<1x40x128xi32, #tpu.memory_space<vmem>>
          %dma_wait3A_134 = tpu.memref_squeeze %dma_wait3A_133 : memref<1x40x128xi32, #tpu.memory_space<vmem>> -> memref<40x128xi32, #tpu.memory_space<vmem>>
          %dma_wait3A_135 = arith.constant 0 : i32
          %dma_wait3A_136 = tpu.memref_slice %dma_wait3A_134[%add3A_109, %dma_wait3A_135] : memref<40x128xi32, #tpu.memory_space<vmem>> -> memref<1x128xi32, #tpu.memory_space<vmem>>
          %dma_wait3A_137 = tpu.memref_squeeze %dma_wait3A_136 : memref<1x128xi32, #tpu.memory_space<vmem>> -> memref<128xi32, #tpu.memory_space<vmem>>
          %dma_wait3A_138 = arith.constant 0 : i32
          %dma_wait3A_139 = arith.constant 0 : i32
          %dma_wait3A_140 = tpu.memref_slice %arg8[%dma_wait3A_138, %dma_wait3A_139] : memref<10240x128xf32, #tpu.memory_space<vmem_shared>> -> memref<10240x128xf32, #tpu.memory_space<vmem_shared>>
          tpu.wait_indirect_dma semaphore(%run_scoped3A_112 : memref<!tpu.dma_semaphore, #tpu.memory_space<semaphore_mem>>) src(%dma_wait3A_130 : memref<128x128xf32, #tpu.memory_space<vmem>>) dst(%dma_wait3A_140 : memref<10240x128xf32, #tpu.memory_space<vmem_shared>>)
          tpu.yield
        }) : () -> ()
      }
      %scan3A_47 = arith.constant 20 : i32
    }
    %scan3A_18 = arith.constant 2 : i32
    %barrier3A_19 = arith.constant 0 : index
    tpu.barrier barrier_id(%barrier3A_19)
    %mul3A_20 = arith.constant 640 : i32
    %mul3A_21 = arith.muli %arg1, %mul3A_20 : i32
    %mul3A_22 = arith.constant 640 : i32
    %mul3A_23 = arith.muli %arg1, %mul3A_22 : i32
    "tpu.region"() ({
      %run_scoped3A = tpu.sem_alloc : memref<!tpu.dma_semaphore, #tpu.memory_space<semaphore_mem>>
      %dma_start3A = arith.constant 0 : i32
      %dma_start3A_24 = arith.constant 0 : i32
      %dma_start3A_25 = tpu.memref_slice %arg5[%arg0, %dma_start3A, %dma_start3A_24] : memref<2x10240x128xf32, #tpu.memory_space<hbm>> -> memref<1x10240x128xf32, #tpu.memory_space<hbm>>
      %dma_start3A_26 = tpu.memref_squeeze %dma_start3A_25 : memref<1x10240x128xf32, #tpu.memory_space<hbm>> -> memref<10240x128xf32, #tpu.memory_space<hbm>>
      %dma_start3A_27 = arith.constant 0 : i32
      %dma_start3A_28 = tpu.memref_slice %dma_start3A_26[%mul3A_23, %dma_start3A_27] : memref<10240x128xf32, #tpu.memory_space<hbm>> -> memref<640x128xf32, #tpu.memory_space<hbm>>
      %dma_start3A_29 = arith.constant 0 : i32
      %dma_start3A_30 = tpu.memref_slice %arg8[%mul3A_21, %dma_start3A_29] : memref<10240x128xf32, #tpu.memory_space<vmem_shared>> -> memref<640x128xf32, #tpu.memory_space<vmem_shared>>
      tpu.enqueue_dma source(%dma_start3A_30 : memref<640x128xf32, #tpu.memory_space<vmem_shared>>) target(%dma_start3A_28 : memref<640x128xf32, #tpu.memory_space<hbm>>) target_semaphore(%run_scoped3A : memref<!tpu.dma_semaphore, #tpu.memory_space<semaphore_mem>>)
      %dma_wait3A = arith.constant 0 : i32
      %dma_wait3A_31 = arith.constant 0 : i32
      %dma_wait3A_32 = tpu.memref_slice %arg5[%arg0, %dma_wait3A, %dma_wait3A_31] : memref<2x10240x128xf32, #tpu.memory_space<hbm>> -> memref<1x10240x128xf32, #tpu.memory_space<hbm>>
      %dma_wait3A_33 = tpu.memref_squeeze %dma_wait3A_32 : memref<1x10240x128xf32, #tpu.memory_space<hbm>> -> memref<10240x128xf32, #tpu.memory_space<hbm>>
      %dma_wait3A_34 = arith.constant 0 : i32
      %dma_wait3A_35 = tpu.memref_slice %dma_wait3A_33[%mul3A_23, %dma_wait3A_34] : memref<10240x128xf32, #tpu.memory_space<hbm>> -> memref<640x128xf32, #tpu.memory_space<hbm>>
      %dma_wait3A_36 = arith.constant 0 : i32
      %dma_wait3A_37 = tpu.memref_slice %arg8[%mul3A_21, %dma_wait3A_36] : memref<10240x128xf32, #tpu.memory_space<vmem_shared>> -> memref<640x128xf32, #tpu.memory_space<vmem_shared>>
      tpu.wait_dma2 semaphore(%run_scoped3A : memref<!tpu.dma_semaphore, #tpu.memory_space<semaphore_mem>>) src(%dma_wait3A_37 : memref<640x128xf32, #tpu.memory_space<vmem_shared>>) dst(%dma_wait3A_35 : memref<640x128xf32, #tpu.memory_space<hbm>>)
      tpu.yield
    }) : () -> ()
    return
  }
}

module attributes {stable_mosaic.version = 14 : i64} {
  func.func @_fin_body(%arg0: i32, %arg1: memref<2x1024x128xf32, #tpu.memory_space<vmem>>, %arg2: memref<1024x128xf32, #tpu.memory_space<vmem>>, %arg3: memref<128x128xf32, #tpu.memory_space<vmem>>, %arg4: memref<1x128xf32, #tpu.memory_space<vmem>>, %arg5: memref<8x128xf32, #tpu.memory_space<vmem>>, %arg6: memref<128x128xf32, #tpu.memory_space<vmem>>, %arg7: memref<1024x128xf32, #tpu.memory_space<vmem>>) attributes {dimension_semantics = [#tpu.dimension_semantics<arbitrary>], iteration_bounds = array<i64: 10>, scalar_prefetch = 0 : i64, scratch_operands = 0 : i64, tpu.core_type = #tpu.core_type<tc>, window_params = [{transform_indices = @transform_0, window_bounds = array<i64: 2, 1024, 128>}, {transform_indices = @transform_1, window_bounds = array<i64: 1024, 128>}, {pipeline_mode = #tpu.pipeline_mode<synchronous>, transform_indices = @transform_2, window_bounds = array<i64: 128, 128>}, {pipeline_mode = #tpu.pipeline_mode<synchronous>, transform_indices = @transform_3, window_bounds = array<i64: 1, 128>}, {transform_indices = @transform_4, window_bounds = array<i64: 8, 128>}, {pipeline_mode = #tpu.pipeline_mode<synchronous>, transform_indices = @transform_5, window_bounds = array<i64: 128, 128>}, {transform_indices = @transform_6, window_bounds = array<i64: 1024, 128>}]} {
    %get3A = arith.constant 0 : index
    %get3A_0 = arith.constant 0 : index
    %get3A_1 = vector.load %arg5[%get3A, %get3A_0] : memref<8x128xf32, #tpu.memory_space<vmem>>, vector<8x128xf32>
    %get3A_2 = arith.constant 0 : index
    %get3A_3 = arith.constant 0 : index
    %get3A_4 = vector.load %arg6[%get3A_2, %get3A_3] : memref<128x128xf32, #tpu.memory_space<vmem>>, vector<128x128xf32>
    %slice3A = vector.extract_strided_slice %get3A_1 {offsets = [0, 0], sizes = [1, 128], strides = [1, 1]} : vector<8x128xf32> to vector<1x128xf32>
    %squeeze3A = vector.shape_cast %slice3A : vector<1x128xf32> to vector<128xf32>
    %broadcast_in_dim3A = vector.shape_cast %squeeze3A : vector<128xf32> to vector<1x128xf32>
    %dot_general3A = arith.constant dense<0.000000e+00> : vector<128x1xf32>
    %dot_general3A_5 = tpu.matmul %get3A_4, %broadcast_in_dim3A, %dot_general3A {dimension_numbers = #tpu.dot_dimension_numbers<[1], [1], [0], [0], [0, 0, 1, 0], [], []>, transpose_lhs_hint = false} : vector<128x128xf32>, vector<1x128xf32>, vector<128x1xf32> -> vector<128x1xf32>
    %slice3A_6 = vector.extract_strided_slice %get3A_1 {offsets = [1, 0], sizes = [1, 128], strides = [1, 1]} : vector<8x128xf32> to vector<1x128xf32>
    %squeeze3A_7 = vector.shape_cast %slice3A_6 : vector<1x128xf32> to vector<128xf32>
    %broadcast_in_dim3A_8 = vector.shape_cast %squeeze3A_7 : vector<128xf32> to vector<1x128xf32>
    %dot_general3A_9 = arith.constant dense<0.000000e+00> : vector<128x1xf32>
    %dot_general3A_10 = tpu.matmul %get3A_4, %broadcast_in_dim3A_8, %dot_general3A_9 {dimension_numbers = #tpu.dot_dimension_numbers<[1], [1], [0], [0], [0, 0, 1, 0], [], []>, transpose_lhs_hint = false} : vector<128x128xf32>, vector<1x128xf32>, vector<128x1xf32> -> vector<128x1xf32>
    %slice3A_11 = vector.extract_strided_slice %get3A_1 {offsets = [2, 0], sizes = [1, 128], strides = [1, 1]} : vector<8x128xf32> to vector<1x128xf32>
    %squeeze3A_12 = vector.shape_cast %slice3A_11 : vector<1x128xf32> to vector<128xf32>
    %broadcast_in_dim3A_13 = vector.shape_cast %squeeze3A_12 : vector<128xf32> to vector<1x128xf32>
    %dot_general3A_14 = arith.constant dense<0.000000e+00> : vector<128x1xf32>
    %dot_general3A_15 = tpu.matmul %get3A_4, %broadcast_in_dim3A_13, %dot_general3A_14 {dimension_numbers = #tpu.dot_dimension_numbers<[1], [1], [0], [0], [0, 0, 1, 0], [], []>, transpose_lhs_hint = false} : vector<128x128xf32>, vector<1x128xf32>, vector<128x1xf32> -> vector<128x1xf32>
    %slice3A_16 = vector.extract_strided_slice %get3A_1 {offsets = [3, 0], sizes = [1, 128], strides = [1, 1]} : vector<8x128xf32> to vector<1x128xf32>
    %squeeze3A_17 = vector.shape_cast %slice3A_16 : vector<1x128xf32> to vector<128xf32>
    %broadcast_in_dim3A_18 = vector.shape_cast %squeeze3A_17 : vector<128xf32> to vector<1x128xf32>
    %dot_general3A_19 = arith.constant dense<0.000000e+00> : vector<128x1xf32>
    %dot_general3A_20 = tpu.matmul %get3A_4, %broadcast_in_dim3A_18, %dot_general3A_19 {dimension_numbers = #tpu.dot_dimension_numbers<[1], [1], [0], [0], [0, 0, 1, 0], [], []>, transpose_lhs_hint = false} : vector<128x128xf32>, vector<1x128xf32>, vector<128x1xf32> -> vector<128x1xf32>
    %slice3A_21 = vector.extract_strided_slice %get3A_1 {offsets = [4, 0], sizes = [1, 128], strides = [1, 1]} : vector<8x128xf32> to vector<1x128xf32>
    %squeeze3A_22 = vector.shape_cast %slice3A_21 : vector<1x128xf32> to vector<128xf32>
    %broadcast_in_dim3A_23 = vector.shape_cast %squeeze3A_22 : vector<128xf32> to vector<1x128xf32>
    %dot_general3A_24 = arith.constant dense<0.000000e+00> : vector<128x1xf32>
    %dot_general3A_25 = tpu.matmul %get3A_4, %broadcast_in_dim3A_23, %dot_general3A_24 {dimension_numbers = #tpu.dot_dimension_numbers<[1], [1], [0], [0], [0, 0, 1, 0], [], []>, transpose_lhs_hint = false} : vector<128x128xf32>, vector<1x128xf32>, vector<128x1xf32> -> vector<128x1xf32>
    %slice3A_26 = vector.extract_strided_slice %get3A_1 {offsets = [5, 0], sizes = [1, 128], strides = [1, 1]} : vector<8x128xf32> to vector<1x128xf32>
    %squeeze3A_27 = vector.shape_cast %slice3A_26 : vector<1x128xf32> to vector<128xf32>
    %broadcast_in_dim3A_28 = vector.shape_cast %squeeze3A_27 : vector<128xf32> to vector<1x128xf32>
    %dot_general3A_29 = arith.constant dense<0.000000e+00> : vector<128x1xf32>
    %dot_general3A_30 = tpu.matmul %get3A_4, %broadcast_in_dim3A_28, %dot_general3A_29 {dimension_numbers = #tpu.dot_dimension_numbers<[1], [1], [0], [0], [0, 0, 1, 0], [], []>, transpose_lhs_hint = false} : vector<128x128xf32>, vector<1x128xf32>, vector<128x1xf32> -> vector<128x1xf32>
    %slice3A_31 = vector.extract_strided_slice %get3A_1 {offsets = [6, 0], sizes = [1, 128], strides = [1, 1]} : vector<8x128xf32> to vector<1x128xf32>
    %squeeze3A_32 = vector.shape_cast %slice3A_31 : vector<1x128xf32> to vector<128xf32>
    %broadcast_in_dim3A_33 = vector.shape_cast %squeeze3A_32 : vector<128xf32> to vector<1x128xf32>
    %dot_general3A_34 = arith.constant dense<0.000000e+00> : vector<128x1xf32>
    %dot_general3A_35 = tpu.matmul %get3A_4, %broadcast_in_dim3A_33, %dot_general3A_34 {dimension_numbers = #tpu.dot_dimension_numbers<[1], [1], [0], [0], [0, 0, 1, 0], [], []>, transpose_lhs_hint = false} : vector<128x128xf32>, vector<1x128xf32>, vector<128x1xf32> -> vector<128x1xf32>
    %slice3A_36 = vector.extract_strided_slice %get3A_1 {offsets = [7, 0], sizes = [1, 128], strides = [1, 1]} : vector<8x128xf32> to vector<1x128xf32>
    %squeeze3A_37 = vector.shape_cast %slice3A_36 : vector<1x128xf32> to vector<128xf32>
    %broadcast_in_dim3A_38 = vector.shape_cast %squeeze3A_37 : vector<128xf32> to vector<1x128xf32>
    %dot_general3A_39 = arith.constant dense<0.000000e+00> : vector<128x1xf32>
    %dot_general3A_40 = tpu.matmul %get3A_4, %broadcast_in_dim3A_38, %dot_general3A_39 {dimension_numbers = #tpu.dot_dimension_numbers<[1], [1], [0], [0], [0, 0, 1, 0], [], []>, transpose_lhs_hint = false} : vector<128x128xf32>, vector<1x128xf32>, vector<128x1xf32> -> vector<128x1xf32>
    %concatenate3A = tpu.concatenate %dot_general3A_5, %dot_general3A_10, %dot_general3A_15, %dot_general3A_20, %dot_general3A_25, %dot_general3A_30, %dot_general3A_35, %dot_general3A_40 in 0 : vector<128x1xf32>, vector<128x1xf32>, vector<128x1xf32>, vector<128x1xf32>, vector<128x1xf32>, vector<128x1xf32>, vector<128x1xf32>, vector<128x1xf32> -> vector<1024x1xf32>
    %get3A_41 = arith.constant 0 : index
    %get3A_42 = arith.constant 0 : index
    %get3A_43 = arith.constant 0 : index
    %get3A_44 = vector.load %arg1[%get3A_41, %get3A_42, %get3A_43] : memref<2x1024x128xf32, #tpu.memory_space<vmem>>, vector<1x1024x128xf32>
    %get3A_45 = vector.shape_cast %get3A_44 : vector<1x1024x128xf32> to vector<1024x128xf32>
    %get3A_46 = arith.constant 1 : index
    %get3A_47 = arith.constant 0 : index
    %get3A_48 = arith.constant 0 : index
    %get3A_49 = vector.load %arg1[%get3A_46, %get3A_47, %get3A_48] : memref<2x1024x128xf32, #tpu.memory_space<vmem>>, vector<1x1024x128xf32>
    %get3A_50 = vector.shape_cast %get3A_49 : vector<1x1024x128xf32> to vector<1024x128xf32>
    %add3A = arith.addf %get3A_45, %get3A_50 : vector<1024x128xf32>
    %get3A_51 = arith.constant 0 : index
    %get3A_52 = arith.constant 0 : index
    %get3A_53 = vector.load %arg2[%get3A_51, %get3A_52] : memref<1024x128xf32, #tpu.memory_space<vmem>>, vector<1024x128xf32>
    %get3A_54 = arith.constant 0 : index
    %get3A_55 = arith.constant 0 : index
    %get3A_56 = vector.load %arg3[%get3A_54, %get3A_55] : memref<128x128xf32, #tpu.memory_space<vmem>>, vector<128x128xf32>
    %dot_general3A_57 = arith.constant dense<0.000000e+00> : vector<1024x128xf32>
    %dot_general3A_58 = tpu.matmul %get3A_53, %get3A_56, %dot_general3A_57 {dimension_numbers = #tpu.dot_dimension_numbers<[1], [0], [0], [1], [0, 0, 1, 1], [], []>, transpose_lhs_hint = false} : vector<1024x128xf32>, vector<128x128xf32>, vector<1024x128xf32> -> vector<1024x128xf32>
    %get3A_59 = arith.constant 0 : index
    %get3A_60 = arith.constant 0 : index
    %get3A_61 = vector.load %arg4[%get3A_59, %get3A_60] : memref<1x128xf32, #tpu.memory_space<vmem>>, vector<1x128xf32>
    %add3A_62 = vector.broadcast %get3A_61 : vector<1x128xf32> to vector<1024x128xf32>
    %add3A_63 = arith.addf %dot_general3A_58, %add3A_62 : vector<1024x128xf32>
    %mul3A = vector.broadcast %concatenate3A : vector<1024x1xf32> to vector<1024x128xf32>
    %mul3A_64 = arith.mulf %add3A, %mul3A : vector<1024x128xf32>
    %add3A_65 = arith.addf %mul3A_64, %add3A_63 : vector<1024x128xf32>
    %max3A = arith.constant 0.000000e+00 : f32
    %max3A_66 = vector.broadcast %max3A : f32 to vector<1024x128xf32>
    %max3A_67 = arith.maximumf %add3A_65, %max3A_66 : vector<1024x128xf32>
    %swap3A = arith.constant 0 : index
    %swap3A_68 = arith.constant 0 : index
    %swap3A_69 = vector.load %arg7[%swap3A, %swap3A_68] : memref<1024x128xf32, #tpu.memory_space<vmem>>, vector<1024x128xf32>
    tpu.vector_store %arg7[%swap3A, %swap3A_68], %max3A_67 {strides = array<i32>} : memref<1024x128xf32, #tpu.memory_space<vmem>>, vector<1024x128xf32>,
    return
  }
  func.func @transform_0(%arg0: i32) -> (i32, i32, i32) {
    %c0_i32 = arith.constant 0 : i32
    %c0_i32_0 = arith.constant 0 : i32
    %c0_i32_1 = arith.constant 0 : i32
    return %c0_i32, %arg0, %c0_i32_0 : i32, i32, i32
  }
  func.func @transform_1(%arg0: i32) -> (i32, i32) {
    %c0_i32 = arith.constant 0 : i32
    %c0_i32_0 = arith.constant 0 : i32
    return %arg0, %c0_i32 : i32, i32
  }
  func.func @transform_2(%arg0: i32) -> (i32, i32) {
    %c0_i32 = arith.constant 0 : i32
    %c0_i32_0 = arith.constant 0 : i32
    %c0_i32_1 = arith.constant 0 : i32
    return %c0_i32, %c0_i32_0 : i32, i32
  }
  func.func @transform_3(%arg0: i32) -> (i32, i32) {
    %c0_i32 = arith.constant 0 : i32
    %c0_i32_0 = arith.constant 0 : i32
    %c0_i32_1 = arith.constant 0 : i32
    return %c0_i32, %c0_i32_0 : i32, i32
  }
  func.func @transform_4(%arg0: i32) -> (i32, i32) {
    %c0_i32 = arith.constant 0 : i32
    %c0_i32_0 = arith.constant 0 : i32
    return %arg0, %c0_i32 : i32, i32
  }
  func.func @transform_5(%arg0: i32) -> (i32, i32) {
    %c0_i32 = arith.constant 0 : i32
    %c0_i32_0 = arith.constant 0 : i32
    %c0_i32_1 = arith.constant 0 : i32
    return %c0_i32, %c0_i32_0 : i32, i32
  }
  func.func @transform_6(%arg0: i32) -> (i32, i32) {
    %c0_i32 = arith.constant 0 : i32
    %c0_i32_0 = arith.constant 0 : i32
    return %arg0, %c0_i32 : i32, i32
  }
}

module attributes {stable_mosaic.version = 14 : i64} {
  func.func @_pre_body(%arg0: i32, %arg1: memref<1024x128xf32, #tpu.memory_space<vmem>>, %arg2: memref<128x128xf32, #tpu.memory_space<vmem>>, %arg3: memref<32x8x128xf32, #tpu.memory_space<vmem>>, %arg4: memref<128x128xf32, #tpu.memory_space<vmem>>, %arg5: memref<1024x128xf32, #tpu.memory_space<vmem>>, %arg6: memref<8x128xf32, #tpu.memory_space<vmem>>) attributes {dimension_semantics = [#tpu.dimension_semantics<arbitrary>], iteration_bounds = array<i64: 10>, scalar_prefetch = 0 : i64, scratch_operands = 0 : i64, tpu.core_type = #tpu.core_type<tc>, window_params = [{transform_indices = @transform_0, window_bounds = array<i64: 1024, 128>}, {pipeline_mode = #tpu.pipeline_mode<synchronous>, transform_indices = @transform_1, window_bounds = array<i64: 128, 128>}, {transform_indices = @transform_2, window_bounds = array<i64: 32, 8, 128>}, {pipeline_mode = #tpu.pipeline_mode<synchronous>, transform_indices = @transform_3, window_bounds = array<i64: 128, 128>}, {transform_indices = @transform_4, window_bounds = array<i64: 1024, 128>}, {transform_indices = @transform_5, window_bounds = array<i64: 8, 128>}]} {
    %get3A = arith.constant 0 : index
    %get3A_0 = arith.constant 0 : index
    %get3A_1 = arith.constant 0 : index
    %get3A_2 = vector.load %arg3[%get3A, %get3A_0, %get3A_1] : memref<32x8x128xf32, #tpu.memory_space<vmem>>, vector<32x8x128xf32>
    %reduce_sum3A = arith.constant dense<0.000000e+00> : vector<8x128xf32>
    %reduce_sum3A_3 = vector.multi_reduction <add>, %get3A_2, %reduce_sum3A [0] : vector<32x8x128xf32> to vector<8x128xf32>
    %gt3A = arith.constant 0.000000e+00 : f32
    %gt3A_4 = vector.broadcast %gt3A : f32 to vector<8x128xf32>
    %gt3A_5 = arith.cmpf ogt, %reduce_sum3A_3, %gt3A_4 : vector<8x128xf32>
    %max3A = arith.constant 1.000000e+00 : f32
    %max3A_6 = vector.broadcast %max3A : f32 to vector<8x128xf32>
    %max3A_7 = arith.maximumf %reduce_sum3A_3, %max3A_6 : vector<8x128xf32>
    %rsqrt3A = math.rsqrt %max3A_7 : vector<8x128xf32>
    %jit3A = arith.constant 0.000000e+00 : f32
    %broadcast_in_dim3A = vector.broadcast %jit3A : f32 to vector<8x128xf32>
    %select_n3A = arith.select %gt3A_5, %rsqrt3A, %broadcast_in_dim3A : vector<8x128xi1>, vector<8x128xf32>
    %swap3A = arith.constant 0 : index
    %swap3A_8 = arith.constant 0 : index
    %swap3A_9 = vector.load %arg6[%swap3A, %swap3A_8] : memref<8x128xf32, #tpu.memory_space<vmem>>, vector<8x128xf32>
    tpu.vector_store %arg6[%swap3A, %swap3A_8], %select_n3A {strides = array<i32>} : memref<8x128xf32, #tpu.memory_space<vmem>>, vector<8x128xf32>,
    %get3A_10 = arith.constant 0 : index
    %get3A_11 = arith.constant 0 : index
    %get3A_12 = vector.load %arg4[%get3A_10, %get3A_11] : memref<128x128xf32, #tpu.memory_space<vmem>>, vector<128x128xf32>
    %slice3A = vector.extract_strided_slice %select_n3A {offsets = [0, 0], sizes = [1, 128], strides = [1, 1]} : vector<8x128xf32> to vector<1x128xf32>
    %squeeze3A = vector.shape_cast %slice3A : vector<1x128xf32> to vector<128xf32>
    %broadcast_in_dim3A_13 = vector.shape_cast %squeeze3A : vector<128xf32> to vector<1x128xf32>
    %dot_general3A = arith.constant dense<0.000000e+00> : vector<128x1xf32>
    %dot_general3A_14 = tpu.matmul %get3A_12, %broadcast_in_dim3A_13, %dot_general3A {dimension_numbers = #tpu.dot_dimension_numbers<[1], [1], [0], [0], [0, 0, 1, 0], [], []>, transpose_lhs_hint = false} : vector<128x128xf32>, vector<1x128xf32>, vector<128x1xf32> -> vector<128x1xf32>
    %slice3A_15 = vector.extract_strided_slice %select_n3A {offsets = [1, 0], sizes = [1, 128], strides = [1, 1]} : vector<8x128xf32> to vector<1x128xf32>
    %squeeze3A_16 = vector.shape_cast %slice3A_15 : vector<1x128xf32> to vector<128xf32>
    %broadcast_in_dim3A_17 = vector.shape_cast %squeeze3A_16 : vector<128xf32> to vector<1x128xf32>
    %dot_general3A_18 = arith.constant dense<0.000000e+00> : vector<128x1xf32>
    %dot_general3A_19 = tpu.matmul %get3A_12, %broadcast_in_dim3A_17, %dot_general3A_18 {dimension_numbers = #tpu.dot_dimension_numbers<[1], [1], [0], [0], [0, 0, 1, 0], [], []>, transpose_lhs_hint = false} : vector<128x128xf32>, vector<1x128xf32>, vector<128x1xf32> -> vector<128x1xf32>
    %slice3A_20 = vector.extract_strided_slice %select_n3A {offsets = [2, 0], sizes = [1, 128], strides = [1, 1]} : vector<8x128xf32> to vector<1x128xf32>
    %squeeze3A_21 = vector.shape_cast %slice3A_20 : vector<1x128xf32> to vector<128xf32>
    %broadcast_in_dim3A_22 = vector.shape_cast %squeeze3A_21 : vector<128xf32> to vector<1x128xf32>
    %dot_general3A_23 = arith.constant dense<0.000000e+00> : vector<128x1xf32>
    %dot_general3A_24 = tpu.matmul %get3A_12, %broadcast_in_dim3A_22, %dot_general3A_23 {dimension_numbers = #tpu.dot_dimension_numbers<[1], [1], [0], [0], [0, 0, 1, 0], [], []>, transpose_lhs_hint = false} : vector<128x128xf32>, vector<1x128xf32>, vector<128x1xf32> -> vector<128x1xf32>
    %slice3A_25 = vector.extract_strided_slice %select_n3A {offsets = [3, 0], sizes = [1, 128], strides = [1, 1]} : vector<8x128xf32> to vector<1x128xf32>
    %squeeze3A_26 = vector.shape_cast %slice3A_25 : vector<1x128xf32> to vector<128xf32>
    %broadcast_in_dim3A_27 = vector.shape_cast %squeeze3A_26 : vector<128xf32> to vector<1x128xf32>
    %dot_general3A_28 = arith.constant dense<0.000000e+00> : vector<128x1xf32>
    %dot_general3A_29 = tpu.matmul %get3A_12, %broadcast_in_dim3A_27, %dot_general3A_28 {dimension_numbers = #tpu.dot_dimension_numbers<[1], [1], [0], [0], [0, 0, 1, 0], [], []>, transpose_lhs_hint = false} : vector<128x128xf32>, vector<1x128xf32>, vector<128x1xf32> -> vector<128x1xf32>
    %slice3A_30 = vector.extract_strided_slice %select_n3A {offsets = [4, 0], sizes = [1, 128], strides = [1, 1]} : vector<8x128xf32> to vector<1x128xf32>
    %squeeze3A_31 = vector.shape_cast %slice3A_30 : vector<1x128xf32> to vector<128xf32>
    %broadcast_in_dim3A_32 = vector.shape_cast %squeeze3A_31 : vector<128xf32> to vector<1x128xf32>
    %dot_general3A_33 = arith.constant dense<0.000000e+00> : vector<128x1xf32>
    %dot_general3A_34 = tpu.matmul %get3A_12, %broadcast_in_dim3A_32, %dot_general3A_33 {dimension_numbers = #tpu.dot_dimension_numbers<[1], [1], [0], [0], [0, 0, 1, 0], [], []>, transpose_lhs_hint = false} : vector<128x128xf32>, vector<1x128xf32>, vector<128x1xf32> -> vector<128x1xf32>
    %slice3A_35 = vector.extract_strided_slice %select_n3A {offsets = [5, 0], sizes = [1, 128], strides = [1, 1]} : vector<8x128xf32> to vector<1x128xf32>
    %squeeze3A_36 = vector.shape_cast %slice3A_35 : vector<1x128xf32> to vector<128xf32>
    %broadcast_in_dim3A_37 = vector.shape_cast %squeeze3A_36 : vector<128xf32> to vector<1x128xf32>
    %dot_general3A_38 = arith.constant dense<0.000000e+00> : vector<128x1xf32>
    %dot_general3A_39 = tpu.matmul %get3A_12, %broadcast_in_dim3A_37, %dot_general3A_38 {dimension_numbers = #tpu.dot_dimension_numbers<[1], [1], [0], [0], [0, 0, 1, 0], [], []>, transpose_lhs_hint = false} : vector<128x128xf32>, vector<1x128xf32>, vector<128x1xf32> -> vector<128x1xf32>
    %slice3A_40 = vector.extract_strided_slice %select_n3A {offsets = [6, 0], sizes = [1, 128], strides = [1, 1]} : vector<8x128xf32> to vector<1x128xf32>
    %squeeze3A_41 = vector.shape_cast %slice3A_40 : vector<1x128xf32> to vector<128xf32>
    %broadcast_in_dim3A_42 = vector.shape_cast %squeeze3A_41 : vector<128xf32> to vector<1x128xf32>
    %dot_general3A_43 = arith.constant dense<0.000000e+00> : vector<128x1xf32>
    %dot_general3A_44 = tpu.matmul %get3A_12, %broadcast_in_dim3A_42, %dot_general3A_43 {dimension_numbers = #tpu.dot_dimension_numbers<[1], [1], [0], [0], [0, 0, 1, 0], [], []>, transpose_lhs_hint = false} : vector<128x128xf32>, vector<1x128xf32>, vector<128x1xf32> -> vector<128x1xf32>
    %slice3A_45 = vector.extract_strided_slice %select_n3A {offsets = [7, 0], sizes = [1, 128], strides = [1, 1]} : vector<8x128xf32> to vector<1x128xf32>
    %squeeze3A_46 = vector.shape_cast %slice3A_45 : vector<1x128xf32> to vector<128xf32>
    %broadcast_in_dim3A_47 = vector.shape_cast %squeeze3A_46 : vector<128xf32> to vector<1x128xf32>
    %dot_general3A_48 = arith.constant dense<0.000000e+00> : vector<128x1xf32>
    %dot_general3A_49 = tpu.matmul %get3A_12, %broadcast_in_dim3A_47, %dot_general3A_48 {dimension_numbers = #tpu.dot_dimension_numbers<[1], [1], [0], [0], [0, 0, 1, 0], [], []>, transpose_lhs_hint = false} : vector<128x128xf32>, vector<1x128xf32>, vector<128x1xf32> -> vector<128x1xf32>
    %concatenate3A = tpu.concatenate %dot_general3A_14, %dot_general3A_19, %dot_general3A_24, %dot_general3A_29, %dot_general3A_34, %dot_general3A_39, %dot_general3A_44, %dot_general3A_49 in 0 : vector<128x1xf32>, vector<128x1xf32>, vector<128x1xf32>, vector<128x1xf32>, vector<128x1xf32>, vector<128x1xf32>, vector<128x1xf32>, vector<128x1xf32> -> vector<1024x1xf32>
    %get3A_50 = arith.constant 0 : index
    %get3A_51 = arith.constant 0 : index
    %get3A_52 = vector.load %arg1[%get3A_50, %get3A_51] : memref<1024x128xf32, #tpu.memory_space<vmem>>, vector<1024x128xf32>
    %get3A_53 = arith.constant 0 : index
    %get3A_54 = arith.constant 0 : index
    %get3A_55 = vector.load %arg2[%get3A_53, %get3A_54] : memref<128x128xf32, #tpu.memory_space<vmem>>, vector<128x128xf32>
    %dot_general3A_56 = arith.constant dense<0.000000e+00> : vector<1024x128xf32>
    %dot_general3A_57 = tpu.matmul %get3A_52, %get3A_55, %dot_general3A_56 {dimension_numbers = #tpu.dot_dimension_numbers<[1], [0], [0], [1], [0, 0, 1, 1], [], []>, transpose_lhs_hint = false} : vector<1024x128xf32>, vector<128x128xf32>, vector<1024x128xf32> -> vector<1024x128xf32>
    %mul3A = vector.broadcast %concatenate3A : vector<1024x1xf32> to vector<1024x128xf32>
    %mul3A_58 = arith.mulf %dot_general3A_57, %mul3A : vector<1024x128xf32>
    %swap3A_59 = arith.constant 0 : index
    %swap3A_60 = arith.constant 0 : index
    %swap3A_61 = vector.load %arg5[%swap3A_59, %swap3A_60] : memref<1024x128xf32, #tpu.memory_space<vmem>>, vector<1024x128xf32>
    tpu.vector_store %arg5[%swap3A_59, %swap3A_60], %mul3A_58 {strides = array<i32>} : memref<1024x128xf32, #tpu.memory_space<vmem>>, vector<1024x128xf32>,
    return
  }
  func.func @transform_0(%arg0: i32) -> (i32, i32) {
    %c0_i32 = arith.constant 0 : i32
    %c0_i32_0 = arith.constant 0 : i32
    return %arg0, %c0_i32 : i32, i32
  }
  func.func @transform_1(%arg0: i32) -> (i32, i32) {
    %c0_i32 = arith.constant 0 : i32
    %c0_i32_0 = arith.constant 0 : i32
    %c0_i32_1 = arith.constant 0 : i32
    return %c0_i32, %c0_i32_0 : i32, i32
  }
  func.func @transform_2(%arg0: i32) -> (i32, i32, i32) {
    %c0_i32 = arith.constant 0 : i32
    %c0_i32_0 = arith.constant 0 : i32
    %c0_i32_1 = arith.constant 0 : i32
    return %c0_i32, %arg0, %c0_i32_0 : i32, i32, i32
  }
  func.func @transform_3(%arg0: i32) -> (i32, i32) {
    %c0_i32 = arith.constant 0 : i32
    %c0_i32_0 = arith.constant 0 : i32
    %c0_i32_1 = arith.constant 0 : i32
    return %c0_i32, %c0_i32_0 : i32, i32
  }
  func.func @transform_4(%arg0: i32) -> (i32, i32) {
    %c0_i32 = arith.constant 0 : i32
    %c0_i32_0 = arith.constant 0 : i32
    return %arg0, %c0_i32 : i32, i32
  }
  func.func @transform_5(%arg0: i32) -> (i32, i32) {
    %c0_i32 = arith.constant 0 : i32
    %c0_i32_0 = arith.constant 0 : i32
    return %arg0, %c0_i32 : i32, i32
  }
}

</mosaic_0001>

<sc_bundles>
// kernel: kernel.6.cloned.1.call-start
scs
__scs_entry_jumppad:
0x0: {  	(pc) =	sbr.rel $0x88, $3  }
0x1: {  	(tag) =	ssettag $0x0;
	lr =	simm.s32 $0x1  }
0x2: {  	[smem:$0x3F9C] =	sst lr;
	_ =	strace $0xD0000000  }
0x3: {  	_ = 	snop  }
0x4: {  	_ = 	snop  }
0x5: {  	_ = 	snop  }
0x6: {  	_ = 	snop  }
0x7: {  	_ = 	snop  }
__scs_overlays_trampoline_lowered:
0x8: {  	[smem:$0x3FAB] =	sst s0  }
0x9: {  	[smem:$0x3FAC] =	sst s1  }
0xa: {  	[smem:$0x3FAD] =	sst s2  }
0xb: {  	[smem:$0x3FAE] =	sst s3  }
0xc: {  	[smem:$0x3FAF] =	sst s4  }
0xd: {  	[smem:$0x3FB0] =	sst s5  }
0xe: {  	[smem:$0x3FB1] =	sst s6  }
0xf: {  	[smem:$0x3FB2] =	sst s7  }
0x10: {  	[smem:$0x3FB3] =	sst s8  }
0x11: {  	[smem:$0x3FB4] =	sst s9;
	s0 =	simm.s32 @!p0 $0x0  }
0x12: {  	s1 =	sld [smem:$0x3F9A];
	s0 =	simm.s32 @p0 $0x1  }
0x13: {  	[smem:$0x3FB5] =	sst s0;
	s0 =	simm.s32 @!p1 $0x0  }
0x14: {  	s2 =	sld [smem:$0x3F99];
	s0 =	simm.s32 @p1 $0x1  }
0x15: {  	[smem:$0x3FB6] =	sst s0;
	s0 =	simm.s32 @!p2 $0x0  }
0x16: {  	s3 =	sld [smem:$0x3FDB];
	s0 =	simm.s32 @p2 $0x1  }
0x17: {  	s4 =	simm.s32 $0x1BF5;
	[smem:$0x3FB8] =	sst s0  }
0x18: {  	s0 =	sld [smem:$0x3F9B];
	_ =	swait.ge [sflag:s4], $0x0  }
0x19: {  	s7 =	sld [smem:$0x3F9C]  }
0x1a: {  	s8 =	sadd.s32 $0xFFFFE003, lr  }
0x1b: {  	s9 =	sadd.s32 $0xFFFFFEF7, lr;
	s5 =	simm.s32 $0xFFFFFFFF;
	p2 =	slt.u32 s8, $0xFFFFF086  }
0x1c: {  	p1 =	slt.u32 s9, $0xF7A;
	s5 =	simm.s32 @!p2 $0x0  }
0x1d: {  	s5 =	simm.s32 @p1 $0x1;
	p0 =	seq.s32 s7, s2  }
0x1e: {  	s7 =	smul.u32 @!p0 $0xF7A, s2;
	p2 =	seq.s32 @!p0 s5, $0x0  }
0x1f: {  	s9 =	smul.u32 $0xF7A, s1;
	s8 =	simm.s32 @!p0 $0x1BF5;
	p2 =	por !p2, p0  }
0x20: {  	[sflag:s8] =	ssyncset.s32 @!p0 $0xFFFFF086;
	s6 =	sadd.s32 @!p0 s3, s7;
	s7 =	simm.s32 @!p0 $0x108  }
0x21: {  	s3 =	sadd.s32 s3, s9;
	s6 =	sadd.s32 @!p0 $0x88, s6;
	s7 =	simm.s32 @p2 $0x1082  }
0x22: {  	[simem:s7], [sflag:s8] =	dma.local @!p0 [hbm:s6], $0xF7A  }
0x23: {  	s9 =	sor.u32 $0xD0000000, s2;
	s6 =	simm.s32 $0x108;
	_ =	swait.ge @!p0 [sflag:s8], $0x0  }
0x24: {  	s3 =	sadd.s32 $0x88, s3;
	s6 =	simm.s32 @!p1 $0x1082;
	[sflag:s4] =	ssyncset.s32 $0xFFFFF086  }
0x25: {  	[simem:s6], [sflag:s4] =	dma.local [hbm:s3], $0xF7A  }
0x26: {  	[smem:$0x3F9C] =	sst s1;
	(tag) =	ssettag s2;
	_ =	strace s9  }
0x27: {  	s1 =	sld [smem:$0x3FAC]  }
0x28: {  	s2 =	sld [smem:$0x3FAD]  }
0x29: {  	s4 =	sld [smem:$0x3FAF]  }
0x2a: {  	p0 =	seq.s32 s5, $0x0;
	s5 =	sld [smem:$0x3FB0]  }
0x2b: {  	s6 =	sld [smem:$0x3FB1]  }
0x2c: {  	s7 =	sld [smem:$0x3FB2]  }
0x2d: {  	s3 =	simm.s32 $0x108;
	s8 =	sld [smem:$0x3FB3]  }
0x2e: {  	s3 =	simm.s32 @!p0 $0x1082;
	s9 =	sld [smem:$0x3FB4]  }
0x2f: {  	lr =	sadd.s32 s0, s3;
	s0 =	sld [smem:$0x3FAB]  }
0x30: {  	s3 =	sld [smem:$0x3FAE]  }
0x31: {  	[smem:$0x3FB7] =	sst s10  }
0x32: {  	s10 =	sld [smem:$0x3FB5];
	_ =	sdelay $0x3  }
0x33: {  	p0 =	seq.s32 s10, $0x1;
	s10 =	sld [smem:$0x3FB7];
	_ =	sdelay $0x3  }
0x34: {  	[smem:$0x3FB7] =	sst s10  }
0x35: {  	s10 =	sld [smem:$0x3FB6];
	_ =	sdelay $0x3  }
0x36: {  	p1 =	seq.s32 s10, $0x1;
	s10 =	sld [smem:$0x3FB7];
	_ =	sdelay $0x3  }
0x37: {  	[smem:$0x3FB7] =	sst s10  }
0x38: {  	s10 =	sld [smem:$0x3FB8]  }
0x39: {  	_ = 	snop;
	(pc) =	sbr.ind lr, $3  }
0x3a: {  	_ = 	snop  }
0x3b: {  	_ = 	snop  }
0x3c: {  	p2 =	seq.s32 s10, $0x1;
	s10 =	sld [smem:$0x3FB7]  }
0x3d: {  	_ =	shalt  }
0x3e: {  	_ =	shalt  }
0x3f: {  	_ =	shalt  }
0x40: {  	_ =	shalt  }
0x41: {  	_ =	shalt  }
0x42: {  	_ =	shalt  }
0x43: {  	_ =	shalt  }
0x44: {  	_ =	shalt  }
0x45: {  	_ =	shalt  }
0x46: {  	_ =	shalt  }
0x47: {  	_ =	shalt  }
0x48: {  	_ =	shalt  }
0x49: {  	_ =	shalt  }
0x4a: {  	_ =	shalt  }
0x4b: {  	_ =	shalt  }
0x4c: {  	_ =	shalt  }
0x4d: {  	_ =	shalt  }
0x4e: {  	_ =	shalt  }
0x4f: {  	_ =	shalt  }
0x50: {  	_ =	shalt  }
0x51: {  	_ =	shalt  }
0x52: {  	_ =	shalt  }
0x53: {  	_ =	shalt  }
0x54: {  	_ =	shalt  }
0x55: {  	_ =	shalt  }
0x56: {  	_ =	shalt  }
0x57: {  	_ =	shalt  }
0x58: {  	_ =	shalt  }
0x59: {  	_ =	shalt  }
0x5a: {  	_ =	shalt  }
0x5b: {  	_ =	shalt  }
0x5c: {  	_ =	shalt  }
0x5d: {  	_ =	shalt  }
0x5e: {  	_ =	shalt  }
0x5f: {  	_ =	shalt  }
0x60: {  	_ =	shalt  }
0x61: {  	_ =	shalt  }
0x62: {  	_ =	shalt  }
0x63: {  	_ =	shalt  }
0x64: {  	_ =	shalt  }
0x65: {  	_ =	shalt  }
0x66: {  	_ =	shalt  }
0x67: {  	_ =	shalt  }
0x68: {  	_ =	shalt  }
0x69: {  	_ =	shalt  }
0x6a: {  	_ =	shalt  }
0x6b: {  	_ =	shalt  }
0x6c: {  	_ =	shalt  }
0x6d: {  	_ =	shalt  }
0x6e: {  	_ =	shalt  }
0x6f: {  	_ =	shalt  }
0x70: {  	_ =	shalt  }
0x71: {  	_ =	shalt  }
0x72: {  	_ =	shalt  }
0x73: {  	_ =	shalt  }
0x74: {  	_ =	shalt  }
0x75: {  	_ =	shalt  }
0x76: {  	_ =	shalt  }
0x77: {  	_ =	shalt  }
0x78: {  	_ =	shalt  }
0x79: {  	_ =	shalt  }
0x7a: {  	_ =	shalt  }
0x7b: {  	_ =	shalt  }
0x7c: {  	_ =	shalt  }
0x7d: {  	_ =	shalt  }
0x7e: {  	_ =	shalt  }
0x7f: {  	_ =	shalt  }
0x80: {  	_ =	shalt  }
0x81: {  	_ =	shalt  }
0x82: {  	_ =	shalt  }
0x83: {  	_ =	shalt  }
0x84: {  	_ =	shalt  }
0x85: {  	_ =	shalt  }
0x86: {  	_ =	shalt  }
0x87: {  	_ =	shalt  }
.Lfunc_end0:
.L_simem_size_0:
called_computation_lowered:
.L_overlay_start_0:
0x88: {  	s2 =	sld [smem:$0x3FD9]  }
0x89: {  	s3 =	sld [smem:$0x3FFE];
	_ =	sdelay $0x1  }
0x8a: {  	s1 =	srdreg.scid  }
0x8b: {  	s0 =	sand.u32 $0x1, s1  }
0x8c: {  	s16 =	sshll.u32 s0, $0xA;
	s2 =	sadd.s32 s3, s2  }
0x8d: {  	s2 =	sadd.s32 s2, s16  }
0x8e: {  	[smem:$0x3FC3] =	sst s2  }
0x8f: {  	_ = 	snop  }
0x90: {  	(tm) =	ssettm $0x1  }
0x91: {  	s17 =	sld [smem:$0x3FFB];
	_ =	sdelay $0x3  }
0x92: {  	_ =	strace s17  }
0x93: {  	s2 =	sld [smem:$0x3FFC];
	_ =	sdelay $0x3  }
0x94: {  	_ =	strace s2  }
0x95: {  	s2 =	sld [smem:$0x3FFD];
	_ =	sdelay $0x3  }
0x96: {  	_ =	strace s2  }
0x97: {  	_ =	strace $0x8FFFFFFF  }
0x98: {  	s18 =	sld [smem:$0x3FDB];
	_ =	sdelay $0x1  }
0x99: {  	s19 =	simm.s32 $_scs_section_size  }
0x9a: {  	s4 =	simm.s32 $_size__tile_overlayer_lowered;
	s5 =	simm.s32 $_tile_overlayer_lowered  }
0x9b: {  	s22 =	simm.s32 $0x1BFF;
	s21 =	sshll.u32 s5, $0x1;
	s2 =	sadd.s32 s19, s18  }
0x9c: {  	s6 =	simm.s32 $0x0;
	s20 =	sshll.u32 s4, $0x1;
	s4 =	sadd.s32 s21, s2  }
0x9d: {  	[timem:s6], [sflag:s22] =	dma.local [hbm:s4], s20  }
0x9e: {  	_ =	swait.ge [sflag:s22], s20  }
0x9f: {  	s3 =	ssub.s32 $0x0, s20;
	[sflag:s22] =	ssyncset.done $0x0  }
0xa0: {  	[sflag:s22] =	ssyncadd.s32 s3;
	_ =	sdelay $0x1  }
0xa1: {  	s23 =	simm.s32 $0x1B8B  }
0xa2: {  	_ =	swait.ge [sflag:s23], $0x1  }
0xa3: {  	[sflag:s23] =	ssyncset.done $0x0  }
0xa4: {  	s25 =	simm.s32 $0x1B8E;
	s24 =	sld [smem:$0x3FFE];
	[sflag:s23] =	ssyncadd.s32 $0xFFFFFFFF  }
0xa5: {  	s26 =	simm.s32 $execute0_lowered;
	[smem:$0x3FD2] =	sst s25  }
0xa6: {  	s4 =	sshll.u32 s26, $0x1;
	_ =	strace $0x80000046;
	[dreg:$0x1] =	wrdreg $0xFFFFFFFF  }
0xa7: {  	s28 =	simm.s32 $_size_execute0_lowered;
	s2 =	sadd.s32 s2, s4;
	[dreg:$0x0] =	wrdreg $0x0  }
0xa8: {  	s4 =	sshll.u32 s28, $0x1;
	[dreg:$0x2] =	wrdreg s2  }
0xa9: {  	[dreg:$0x3] =	wrdreg s4  }
0xaa: {  	[dreg:$0x4] =	wrdreg $0xC0  }
0xab: {  	_ =	task [dreg:s6], $0x5FFFF  }
0xac: {  	[dreg:$0x1] =	wrdreg $0xFFFFFFFF  }
0xad: {  	[dreg:$0x0] =	wrdreg $0x60  }
0xae: {  	[dreg:$0x2] =	wrdreg s24  }
0xaf: {  	[dreg:$0x3] =	wrdreg $0x9  }
0xb0: {  	_ =	task.clear_ibuf [dreg:s6], $0x4FFFF;
	_ =	strace $0x90000046  }
0xb1: {  	s29 =	simm.s32 $0x9;
	_ =	strace $0x80000048  }
0xb2: {  	_ =	swait.ge [sflag:s29], $0x1  }
0xb3: {  	[sflag:s29] =	ssyncadd.s32 $0xFFFFFFFF  }
0xb4: {  	_ =	strace $0x90000048  }
0xb5: {  	_ =	sfence  }
0xb6: {  	s30 =	sld [smem:$0x0];
	_ =	sdelay $0x2  }
0xb7: {  	s31 =	sshll.u32 s1, $0xD;
	s1 =	sshrl.u32 s1, $0x2  }
0xb8: {  	s3 =	sand.u32 $0x4000, s31;
	s1 =	sadd.s32 s1, s30  }
0xb9: {  	s0 =	sor.u32 s3, s0;
	s1 =	sshll.u32 s1, $0x11  }
0xba: {  	s0 =	sor.u32 s1, s0  }
0xbb: {  	s0 =	sadd.s32 $0x8F2B, s0  }
0xbc: {  	[sflag:s0] =	ssyncadd.remote.s32 $0x1  }
0xbd: {  	_ =	sfence.sel $0xFFFF  }
0xbe: {  	[dreg:$0x0] =	wrdreg $0xFFFFFFFF;
	(pc) =	sbr.abs _section_cstart, $3  }
0xbf: {  	[dreg:$0x1] =	wrdreg $0xFFFFFFFF  }
0xc0: {  	_ =	task.clear_ibuf [dreg:s6], $0x2FFFF;
	_ =	strace $0x9FFFFFFF  }
0xc1: {  	(tm) =	ssettm $0x7FFFFFFF  }
tec
execute0_lowered:
.L_overlay_start_1:
0x0: {  	(tag) =	ssettag $0x1  }
0x1: {  	s0 =	srdreg.scid  }
0x2: {  	s5 =	rddreg [dreg:$0x0];
	s3 =	sand.u32 $0x1, s0  }
0x3: {  	s2 =	simm.s32 $0x0;
	s0 =	stileid.u32;
	s1 =	sshll.u32 s3, $0x4  }
0x4: {  	s8 =	simm.s32 $0x80;
	s9 =	simm.s32 $0x400;
	s4 =	sor.u32 s0, s1  }
0x5: {  	s10 =	simm.s32 $0x0;
	[smem:$0x7FF] =	sst s2;
	s1 =	sshrl.u32 s4, $0x3  }
0x6: {  	s7 =	sshll.u32 s0, $0x7;
	s3 =	ssub.s32 $0x2, s3;
	s6 =	smul.u32 $0x14000, s1  }
0x7: {  	s7 =	sand.u32 $0x380, s7;
	s31 =	sshrl.u32 s3, $0x1;
	s4 =	smul.u32 $0x4E2, s4  }
0x8: {  	s1 =	rddreg [dreg:$0x1];
	_ =	strace $0x80000047;
	s6 =	sor.u32 s7, s6  }
0x9: {  	s4 =	sadd.s32 s4, s5;
	s7 =	simm.s32 $0x2780;
	s6 =	sshrl.u32 s6, $0x3  }
0xa: {  	s5 =	sadd.s32 s6, s5;
	s6 =	ssub.s32 s3, s31;
	s3 =	sadd.s32 $0x1800, s4  }
0xb: {  	v0 =	vimm.f32 $0.0e+00;
	v1 =	vimm.f32 $1.000000000e+00;
	s4 =	sadd.s32 $0xB600, s5;
	s5 =	smax.u32 s6, $0x1;
	s6 =	simm.s32 $0x1  }
.LBB2_1:
0xc: {  	[tilespmem:s2], [sflag:$0x1] =	stream.linear.gather [hbm4b:s3+s2], $0x2710, $0x38;
	[tilespmem:$0x4F80] =	vst v63  }
0xd: {  	_ =	swait.ge [sflag:s6], $0x2710  }
0xe: {  	[sflag:s6] =	ssyncset.done $0x0  }
0xf: {  	s11 =	simm.s32 $0x0;
	[sflag:s6] =	ssyncadd.s32 $0xFFFFD8F0  }
.LBB2_2:
0x10: {  	p0 =	sne.s32 s11, $0x9FC0  }
.Ltmp0:
0x11: {  	_ = 	snop;
	(pc) =	sbr.rel @p0 .LBB2_2-.Ltmp0, $3  }
0x12: {  	_ =	sdelay $0x1  }
0x13: {  	s12 =	sshra.s32 s11, $0x2  }
0x14: {  	s11 =	sadd.s32 $0x40, s11;
	[tilespmem:s12+$0x2780] =	vst v0  }
0x15: {  	s12 =	simm.s32 $0x0;
	s11 =	simm.s32 $0x40  }
.LBB2_4:
0x16: {  	p0 =	sne.s32 s11, $0x9C00;
	v2 =	vld [tilespmem:s12+$0x0];
	_ =	sdelay $0x3  }
.Ltmp1:
0x17: {  	(pc) =	sbr.rel @p0 .LBB2_4-.Ltmp1, $2  }
0x18: {  	_ =	sdelay $0x2  }
0x19: {  	s12 =	sshra.s32 s11, $0x2;
	s11 =	sadd.s32 $0x40, s11;
	[tilespmem:v2+s7+$0x0] =	vst.idx.add.f32.msk $0xffff, v1  }
0x1a: {  	v2 =	vld [tilespmem:s12+$0x0];
	_ =	sdelay $0x5  }
0x1b: {  	s10 =	sadd.s32 $0x1, s10  }
0x1c: {  	p0 =	sne.s32 s10, s5  }
.Ltmp2:
0x1d: {  	[tilespmem:v2+s7+$0x0] =	vst.idx.add.f32.msk $0xffff, v1;
	(pc) =	sbr.rel @p0 .LBB2_1-.Ltmp2, $4  }
0x1e: {  	[hbm4b:s4+s8] =	stream.strided.scatter [tilespmem:s7], [sflag:$0x1], $0x2800, s9, s8, $0x38;
	[tilespmem:$0x4F80] =	vst v63  }
0x1f: {  	_ =	swait.ge [sflag:s6], $0x2800  }
0x20: {  	[sflag:s6] =	ssyncset.done $0x0  }
0x21: {  	[sflag:s6] =	ssyncadd.s32 $0xFFFFD800  }
0x22: {  	_ =	sfence.sel $0x180000  }
0x23: {  	[bflag:$0x0] =	sbarrier.arrive $0xFFFF  }
0x24: {  	p0 =	sne.s32 s0, $0x0;
	_ =	strace $0x90000047  }
0x25: {  	s0 =	sadd.s32 @!p0 $0x100000, s1;
	[bflag:$0x2] =	sbarrier.arrive $0xFFFF  }
0x26: {  	[sflag:s0] =	ssyncadd.tile.s32 @!p0 $0x1;
	_ =	shalt  }
.Lfunc_end2:
_tile_overlayer_lowered:
.L_overlay_start_2:
0x27: {  	(tag) =	ssettag $0x2  }
0x28: {  	s0 =	rddreg [dreg:$0x0];
	s2 =	stileid.u32  }
0x29: {  	s1 =	rddreg [dreg:$0x1];
	p0 =	sne.s32 s2, $0x0  }
0x2a: {  	s3 =	rddreg [dreg:$0x2];
	[bflag:$0x3] =	sbarrier.arrive $0xFFFF;
	s2 =	simm.s32 @!p0 $0x1C01  }
0x2b: {  	[timem:s3], [sflag:s2] =	dma.local @!p0 [hbm:s0], s1  }
0x2c: {  	s0 =	simm.s32 @!p0 $0x1  }
0x2d: {  	_ =	swait.ge @!p0 [sflag:s0], s1  }
0x2e: {  	s1 =	ssub.s32 @!p0 $0x0, s1;
	[sflag:s0] =	ssyncset.done @!p0 $0x0  }
0x2f: {  	[sflag:s0] =	ssyncadd.s32 @!p0 s1  }
0x30: {  	[bflag:$0x3] =	sbarrier.arrive $0xFFFF  }
0x31: {  	_ =	shalt  }

// kernel: kernel.9.cloned.1.call-start
scs
__scs_entry_jumppad:
0x0: {  	(pc) =	sbr.rel $0x88, $3  }
0x1: {  	(tag) =	ssettag $0x0;
	lr =	simm.s32 $0x1  }
0x2: {  	[smem:$0x3F9C] =	sst lr;
	_ =	strace $0xD0000000  }
0x3: {  	_ = 	snop  }
0x4: {  	_ = 	snop  }
0x5: {  	_ = 	snop  }
0x6: {  	_ = 	snop  }
0x7: {  	_ = 	snop  }
__scs_overlays_trampoline_lowered:
0x8: {  	[smem:$0x3FAB] =	sst s0  }
0x9: {  	[smem:$0x3FAC] =	sst s1  }
0xa: {  	[smem:$0x3FAD] =	sst s2  }
0xb: {  	[smem:$0x3FAE] =	sst s3  }
0xc: {  	[smem:$0x3FAF] =	sst s4  }
0xd: {  	[smem:$0x3FB0] =	sst s5  }
0xe: {  	[smem:$0x3FB1] =	sst s6  }
0xf: {  	[smem:$0x3FB2] =	sst s7  }
0x10: {  	[smem:$0x3FB3] =	sst s8  }
0x11: {  	[smem:$0x3FB4] =	sst s9;
	s0 =	simm.s32 @!p0 $0x0  }
0x12: {  	s1 =	sld [smem:$0x3F9A];
	s0 =	simm.s32 @p0 $0x1  }
0x13: {  	[smem:$0x3FB5] =	sst s0;
	s0 =	simm.s32 @!p1 $0x0  }
0x14: {  	s2 =	sld [smem:$0x3F99];
	s0 =	simm.s32 @p1 $0x1  }
0x15: {  	[smem:$0x3FB6] =	sst s0;
	s0 =	simm.s32 @!p2 $0x0  }
0x16: {  	s3 =	sld [smem:$0x3FDB];
	s0 =	simm.s32 @p2 $0x1  }
0x17: {  	s4 =	simm.s32 $0x1BF5;
	[smem:$0x3FB8] =	sst s0  }
0x18: {  	s0 =	sld [smem:$0x3F9B];
	_ =	swait.ge [sflag:s4], $0x0  }
0x19: {  	s7 =	sld [smem:$0x3F9C]  }
0x1a: {  	s8 =	sadd.s32 $0xFFFFE003, lr  }
0x1b: {  	s9 =	sadd.s32 $0xFFFFFEF7, lr;
	s5 =	simm.s32 $0xFFFFFFFF;
	p2 =	slt.u32 s8, $0xFFFFF086  }
0x1c: {  	p1 =	slt.u32 s9, $0xF7A;
	s5 =	simm.s32 @!p2 $0x0  }
0x1d: {  	s5 =	simm.s32 @p1 $0x1;
	p0 =	seq.s32 s7, s2  }
0x1e: {  	s7 =	smul.u32 @!p0 $0xF7A, s2;
	p2 =	seq.s32 @!p0 s5, $0x0  }
0x1f: {  	s9 =	smul.u32 $0xF7A, s1;
	s8 =	simm.s32 @!p0 $0x1BF5;
	p2 =	por !p2, p0  }
0x20: {  	[sflag:s8] =	ssyncset.s32 @!p0 $0xFFFFF086;
	s6 =	sadd.s32 @!p0 s3, s7;
	s7 =	simm.s32 @!p0 $0x108  }
0x21: {  	s3 =	sadd.s32 s3, s9;
	s6 =	sadd.s32 @!p0 $0x88, s6;
	s7 =	simm.s32 @p2 $0x1082  }
0x22: {  	[simem:s7], [sflag:s8] =	dma.local @!p0 [hbm:s6], $0xF7A  }
0x23: {  	s9 =	sor.u32 $0xD0000000, s2;
	s6 =	simm.s32 $0x108;
	_ =	swait.ge @!p0 [sflag:s8], $0x0  }
0x24: {  	s3 =	sadd.s32 $0x88, s3;
	s6 =	simm.s32 @!p1 $0x1082;
	[sflag:s4] =	ssyncset.s32 $0xFFFFF086  }
0x25: {  	[simem:s6], [sflag:s4] =	dma.local [hbm:s3], $0xF7A  }
0x26: {  	[smem:$0x3F9C] =	sst s1;
	(tag) =	ssettag s2;
	_ =	strace s9  }
0x27: {  	s1 =	sld [smem:$0x3FAC]  }
0x28: {  	s2 =	sld [smem:$0x3FAD]  }
0x29: {  	s4 =	sld [smem:$0x3FAF]  }
0x2a: {  	p0 =	seq.s32 s5, $0x0;
	s5 =	sld [smem:$0x3FB0]  }
0x2b: {  	s6 =	sld [smem:$0x3FB1]  }
0x2c: {  	s7 =	sld [smem:$0x3FB2]  }
0x2d: {  	s3 =	simm.s32 $0x108;
	s8 =	sld [smem:$0x3FB3]  }
0x2e: {  	s3 =	simm.s32 @!p0 $0x1082;
	s9 =	sld [smem:$0x3FB4]  }
0x2f: {  	lr =	sadd.s32 s0, s3;
	s0 =	sld [smem:$0x3FAB]  }
0x30: {  	s3 =	sld [smem:$0x3FAE]  }
0x31: {  	[smem:$0x3FB7] =	sst s10  }
0x32: {  	s10 =	sld [smem:$0x3FB5];
	_ =	sdelay $0x3  }
0x33: {  	p0 =	seq.s32 s10, $0x1;
	s10 =	sld [smem:$0x3FB7];
	_ =	sdelay $0x3  }
0x34: {  	[smem:$0x3FB7] =	sst s10  }
0x35: {  	s10 =	sld [smem:$0x3FB6];
	_ =	sdelay $0x3  }
0x36: {  	p1 =	seq.s32 s10, $0x1;
	s10 =	sld [smem:$0x3FB7];
	_ =	sdelay $0x3  }
0x37: {  	[smem:$0x3FB7] =	sst s10  }
0x38: {  	s10 =	sld [smem:$0x3FB8]  }
0x39: {  	_ = 	snop;
	(pc) =	sbr.ind lr, $3  }
0x3a: {  	_ = 	snop  }
0x3b: {  	_ = 	snop  }
0x3c: {  	p2 =	seq.s32 s10, $0x1;
	s10 =	sld [smem:$0x3FB7]  }
0x3d: {  	_ =	shalt  }
0x3e: {  	_ =	shalt  }
0x3f: {  	_ =	shalt  }
0x40: {  	_ =	shalt  }
0x41: {  	_ =	shalt  }
0x42: {  	_ =	shalt  }
0x43: {  	_ =	shalt  }
0x44: {  	_ =	shalt  }
0x45: {  	_ =	shalt  }
0x46: {  	_ =	shalt  }
0x47: {  	_ =	shalt  }
0x48: {  	_ =	shalt  }
0x49: {  	_ =	shalt  }
0x4a: {  	_ =	shalt  }
0x4b: {  	_ =	shalt  }
0x4c: {  	_ =	shalt  }
0x4d: {  	_ =	shalt  }
0x4e: {  	_ =	shalt  }
0x4f: {  	_ =	shalt  }
0x50: {  	_ =	shalt  }
0x51: {  	_ =	shalt  }
0x52: {  	_ =	shalt  }
0x53: {  	_ =	shalt  }
0x54: {  	_ =	shalt  }
0x55: {  	_ =	shalt  }
0x56: {  	_ =	shalt  }
0x57: {  	_ =	shalt  }
0x58: {  	_ =	shalt  }
0x59: {  	_ =	shalt  }
0x5a: {  	_ =	shalt  }
0x5b: {  	_ =	shalt  }
0x5c: {  	_ =	shalt  }
0x5d: {  	_ =	shalt  }
0x5e: {  	_ =	shalt  }
0x5f: {  	_ =	shalt  }
0x60: {  	_ =	shalt  }
0x61: {  	_ =	shalt  }
0x62: {  	_ =	shalt  }
0x63: {  	_ =	shalt  }
0x64: {  	_ =	shalt  }
0x65: {  	_ =	shalt  }
0x66: {  	_ =	shalt  }
0x67: {  	_ =	shalt  }
0x68: {  	_ =	shalt  }
0x69: {  	_ =	shalt  }
0x6a: {  	_ =	shalt  }
0x6b: {  	_ =	shalt  }
0x6c: {  	_ =	shalt  }
0x6d: {  	_ =	shalt  }
0x6e: {  	_ =	shalt  }
0x6f: {  	_ =	shalt  }
0x70: {  	_ =	shalt  }
0x71: {  	_ =	shalt  }
0x72: {  	_ =	shalt  }
0x73: {  	_ =	shalt  }
0x74: {  	_ =	shalt  }
0x75: {  	_ =	shalt  }
0x76: {  	_ =	shalt  }
0x77: {  	_ =	shalt  }
0x78: {  	_ =	shalt  }
0x79: {  	_ =	shalt  }
0x7a: {  	_ =	shalt  }
0x7b: {  	_ =	shalt  }
0x7c: {  	_ =	shalt  }
0x7d: {  	_ =	shalt  }
0x7e: {  	_ =	shalt  }
0x7f: {  	_ =	shalt  }
0x80: {  	_ =	shalt  }
0x81: {  	_ =	shalt  }
0x82: {  	_ =	shalt  }
0x83: {  	_ =	shalt  }
0x84: {  	_ =	shalt  }
0x85: {  	_ =	shalt  }
0x86: {  	_ =	shalt  }
0x87: {  	_ =	shalt  }
.Lfunc_end0:
.L_simem_size_0:
called_computation.1_lowered:
.L_overlay_start_0:
0x88: {  	s2 =	sld [smem:$0x3FD9]  }
0x89: {  	s3 =	sld [smem:$0x3FFE];
	_ =	sdelay $0x1  }
0x8a: {  	s1 =	srdreg.scid  }
0x8b: {  	s0 =	sand.u32 $0x1, s1  }
0x8c: {  	s17 =	sshll.u32 s0, $0xA;
	s2 =	sadd.s32 s3, s2  }
0x8d: {  	s2 =	sadd.s32 s2, s17  }
0x8e: {  	[smem:$0x3FC3] =	sst s2  }
0x8f: {  	_ = 	snop  }
0x90: {  	s2 =	sld [smem:$0x3FD0];
	(tm) =	ssettm $0x1  }
0x91: {  	s18 =	sld [smem:$0x3FFB];
	_ =	sdelay $0x3  }
0x92: {  	_ =	strace s18  }
0x93: {  	s3 =	sld [smem:$0x3FFC];
	_ =	sdelay $0x3  }
0x94: {  	_ =	strace s3  }
0x95: {  	s3 =	sld [smem:$0x3FFD];
	_ =	sdelay $0x3  }
0x96: {  	_ =	strace s3  }
0x97: {  	_ =	strace $0x8FFFFFFF  }
0x98: {  	s19 =	sld [smem:$0x3FDB];
	_ =	sdelay $0x1  }
0x99: {  	s4 =	simm.s32 $_scs_section_size  }
0x9a: {  	s5 =	simm.s32 $_size__tile_overlayer_lowered;
	s6 =	simm.s32 $_tile_overlayer_lowered  }
0x9b: {  	s22 =	simm.s32 $0x1BFF;
	s21 =	sshll.u32 s6, $0x1;
	s3 =	sadd.s32 s4, s19  }
0x9c: {  	s7 =	simm.s32 $0x0;
	s20 =	sshll.u32 s5, $0x1;
	s5 =	sadd.s32 s21, s3  }
0x9d: {  	[timem:s7], [sflag:s22] =	dma.local [hbm:s5], s20  }
0x9e: {  	_ =	swait.ge [sflag:s22], s20  }
0x9f: {  	s4 =	ssub.s32 $0x0, s20;
	[sflag:s22] =	ssyncset.done $0x0  }
0xa0: {  	[sflag:s22] =	ssyncadd.s32 s4;
	_ =	sdelay $0x1  }
0xa1: {  	s23 =	simm.s32 $0x1B8B  }
0xa2: {  	_ =	swait.ge [sflag:s23], $0x1  }
0xa3: {  	[sflag:s23] =	ssyncset.done $0x0  }
0xa4: {  	s25 =	simm.s32 $0x1B8E;
	s24 =	sld [smem:$0x3FFE];
	[sflag:s23] =	ssyncadd.s32 $0xFFFFFFFF  }
0xa5: {  	s26 =	simm.s32 $execute0_lowered;
	[smem:$0x3FD2] =	sst s25  }
0xa6: {  	s5 =	sshll.u32 s26, $0x1;
	_ =	strace $0x80000049;
	[dreg:$0x1] =	wrdreg $0xFFFFFFFF  }
0xa7: {  	s28 =	simm.s32 $_size_execute0_lowered;
	s3 =	sadd.s32 s3, s5;
	[dreg:$0x0] =	wrdreg $0x0  }
0xa8: {  	s5 =	sshll.u32 s28, $0x1;
	[dreg:$0x2] =	wrdreg s3  }
0xa9: {  	[dreg:$0x3] =	wrdreg s5  }
0xaa: {  	[dreg:$0x4] =	wrdreg $0xC0  }
0xab: {  	_ =	task [dreg:s7], $0x5FFFF  }
0xac: {  	[dreg:$0x1] =	wrdreg $0xFFFFFFFF  }
0xad: {  	[dreg:$0x0] =	wrdreg $0x60  }
0xae: {  	[dreg:$0x2] =	wrdreg s24  }
0xaf: {  	[dreg:$0x3] =	wrdreg s2  }
0xb0: {  	[dreg:$0x4] =	wrdreg $0xA8000  }
0xb1: {  	[dreg:$0x5] =	wrdreg $0x9  }
0xb2: {  	_ =	task.clear_ibuf [dreg:s7], $0x6FFFF;
	_ =	strace $0x90000049  }
0xb3: {  	s29 =	simm.s32 $0x9;
	_ =	strace $0x8000004B  }
0xb4: {  	_ =	swait.ge [sflag:s29], $0x1  }
0xb5: {  	[sflag:s29] =	ssyncadd.s32 $0xFFFFFFFF  }
0xb6: {  	_ =	strace $0x9000004B  }
0xb7: {  	_ =	sfence  }
0xb8: {  	s30 =	sld [smem:$0x0];
	_ =	sdelay $0x2  }
0xb9: {  	s31 =	sshll.u32 s1, $0xD;
	s1 =	sshrl.u32 s1, $0x2  }
0xba: {  	s3 =	sand.u32 $0x4000, s31;
	s1 =	sadd.s32 s1, s30  }
0xbb: {  	s0 =	sor.u32 s3, s0;
	s1 =	sshll.u32 s1, $0x11  }
0xbc: {  	s0 =	sor.u32 s1, s0  }
0xbd: {  	s0 =	sadd.s32 $0x8F2B, s0  }
0xbe: {  	[sflag:s0] =	ssyncadd.remote.s32 $0x1  }
0xbf: {  	_ =	sfence.sel $0xFFFF  }
0xc0: {  	[dreg:$0x0] =	wrdreg $0xFFFFFFFF;
	(pc) =	sbr.abs _section_cstart, $3  }
0xc1: {  	[dreg:$0x1] =	wrdreg $0xFFFFFFFF  }
0xc2: {  	_ =	task.clear_ibuf [dreg:s7], $0x2FFFF;
	_ =	strace $0x9FFFFFFF  }
0xc3: {  	(tm) =	ssettm $0x7FFFFFFF  }
tec
execute0_lowered:
.L_overlay_start_1:
0x0: {  	(tag) =	ssettag $0x1  }
0x1: {  	s5 =	rddreg [dreg:$0x0]  }
0x2: {  	s6 =	rddreg [dreg:$0x1]  }
0x3: {  	s0 =	srdreg.scid;
	s2 =	rddreg [dreg:$0x2]  }
0x4: {  	s3 =	simm.s32 $0x0;
	s13 =	simm.s32 $0x2800;
	s14 =	simm.s32 $0x2  }
0x5: {  	s15 =	simm.s32 $0x1400;
	s16 =	simm.s32 $0x80;
	s17 =	simm.s32 $0x1  }
0x6: {  	s18 =	simm.s32 $0x6800;
	s19 =	simm.s32 $0x1380;
	s20 =	simm.s32 $0x2700  }
0x7: {  	s21 =	simm.s32 $0x2780;
	s4 =	sand.u32 $0x1, s0;
	s0 =	stileid.u32  }
0x8: {  	[smem:$0x7FF] =	sst s3;
	s1 =	sshll.u32 s4, $0x4;
	s8 =	smul.u32 $0x28000, s4  }
0x9: {  	s9 =	ssub.s32 $0x2, s4;
	s10 =	smul.u32 $0x50000, s0;
	s4 =	sadd.s32 $0x1F600, s5  }
0xa: {  	s23 =	smul.u32 $0x2800, s0;
	s7 =	sor.u32 s0, s1;
	s1 =	rddreg [dreg:$0x3]  }
0xb: {  	_ =	strace $0x8000004A;
	s12 =	sshrl.u32 s9, $0x1;
	s7 =	smul.u32 $0x500, s7  }
0xc: {  	s8 =	sadd.s32 s8, s5;
	s9 =	ssub.s32 s9, s12;
	s31 =	sshrl.u32 s10, $0x2  }
0xd: {  	s22 =	sadd.s32 $0x47600, s8;
	s8 =	smax.u32 s9, $0x1;
	s11 =	sadd.s32 s7, s5  }
0xe: {  	s5 =	sadd.s32 s31, s2;
	s6 =	sadd.s32 s6, s7;
	s22 =	sadd.s32 s23, s22  }
0xf: {  	s23 =	simm.s32 $0x0;
	s7 =	sadd.s32 $0x15600, s11;
	s9 =	sadd.s32 $0x4000, s5  }
0x10: {  	v0 =	vimm.f32 $0.0e+00;
	s10 =	sadd.s32 $0x8000, s5;
	s11 =	sadd.s32 $0xC000, s5;
	s12 =	sadd.s32 $0x10000, s5  }
.LBB2_1:
0x11: {  	s24 =	simm.s32 $0x0;
	s25 =	simm.s32 $0x200  }
.LBB2_2:
0x12: {  	p0 =	sne.s32 s25, $0xFE00;
	[tilespmem:s24+$0x2870] =	vst v0  }
0x13: {  	[tilespmem:s24+$0x2800] =	vst v0  }
0x14: {  	[tilespmem:s24+$0x2810] =	vst v0  }
.Ltmp0:
0x15: {  	[tilespmem:s24+$0x2820] =	vst v0;
	(pc) =	sbr.rel @p0 .LBB2_2-.Ltmp0, $4  }
0x16: {  	[tilespmem:s24+$0x2830] =	vst v0  }
0x17: {  	[tilespmem:s24+$0x2840] =	vst v0  }
0x18: {  	[tilespmem:s24+$0x2850] =	vst v0  }
0x19: {  	[tilespmem:s24+$0x2860] =	vst v0;
	s24 =	sshra.s32 s25, $0x2;
	s25 =	sadd.s32 $0x200, s25  }
0x1a: {  	[tilespmem:s24+$0x2870] =	vst v0  }
0x1b: {  	[tilespmem:s24+$0x2800] =	vst v0  }
0x1c: {  	[tilespmem:s24+$0x2810] =	vst v0  }
0x1d: {  	[tilespmem:s24+$0x2820] =	vst v0  }
0x1e: {  	[tilespmem:s24+$0x2830] =	vst v0  }
0x1f: {  	[tilespmem:s24+$0x2840] =	vst v0  }
0x20: {  	[tilespmem:s24+$0x2850] =	vst v0  }
0x21: {  	[tilespmem:s24+$0x2860] =	vst v0  }
0x22: {  	[spmem:s5] =	stream.linear.scatter [tilespmem:s13], [sflag:$0x2], $0x4000, $0x38;
	[tilespmem:$0x1E800] =	vst v63  }
0x23: {  	_ =	swait.ge [sflag:s14], $0x4000  }
0x24: {  	[sflag:s14] =	ssyncset.done $0x0  }
0x25: {  	[sflag:s14] =	ssyncadd.s32 $0xFFFFC000  }
0x26: {  	[spmem:s9] =	stream.linear.scatter [tilespmem:s13], [sflag:$0x2], $0x4000, $0x38;
	[tilespmem:$0x1E800] =	vst v63  }
0x27: {  	_ =	swait.ge [sflag:s14], $0x4000  }
0x28: {  	[sflag:s14] =	ssyncset.done $0x0  }
0x29: {  	[sflag:s14] =	ssyncadd.s32 $0xFFFFC000  }
0x2a: {  	[spmem:s10] =	stream.linear.scatter [tilespmem:s13], [sflag:$0x2], $0x4000, $0x38;
	[tilespmem:$0x1E800] =	vst v63  }
0x2b: {  	_ =	swait.ge [sflag:s14], $0x4000  }
0x2c: {  	[sflag:s14] =	ssyncset.done $0x0  }
0x2d: {  	[sflag:s14] =	ssyncadd.s32 $0xFFFFC000  }
0x2e: {  	[spmem:s11] =	stream.linear.scatter [tilespmem:s13], [sflag:$0x2], $0x4000, $0x38;
	[tilespmem:$0x1E800] =	vst v63  }
0x2f: {  	_ =	swait.ge [sflag:s14], $0x4000  }
0x30: {  	[sflag:s14] =	ssyncset.done $0x0  }
0x31: {  	[sflag:s14] =	ssyncadd.s32 $0xFFFFC000  }
0x32: {  	[spmem:s12] =	stream.linear.scatter [tilespmem:s13], [sflag:$0x2], $0x4000, $0x38;
	[tilespmem:$0x1E800] =	vst v63  }
0x33: {  	_ =	swait.ge [sflag:s14], $0x4000  }
0x34: {  	[sflag:s14] =	ssyncset.done $0x0  }
0x35: {  	[sflag:s14] =	ssyncadd.s32 $0xFFFFC000  }
0x36: {  	[bflag:$0x0] =	sbarrier.arrive $0xFFFF  }
0x37: {  	[tilespmem:s3], [sflag:$0x2] =	stream.linear.gather [hbm4b:s6+s3], $0x1400, $0x38;
	[tilespmem:$0x1E800] =	vst v63  }
0x38: {  	_ =	swait.ge [sflag:s14], $0x1400  }
0x39: {  	[sflag:s14] =	ssyncset.done $0x0  }
0x3a: {  	[sflag:s14] =	ssyncadd.s32 $0xFFFFEC00  }
0x3b: {  	[tilespmem:s15], [sflag:$0x2] =	stream.linear.gather [hbm4b:s7+s3], $0x1400, $0x38;
	[tilespmem:$0x1E800] =	vst v63  }
0x3c: {  	_ =	swait.ge [sflag:s14], $0x1400  }
0x3d: {  	[sflag:s14] =	ssyncset.done $0x0  }
0x3e: {  	[sflag:s14] =	ssyncadd.s32 $0xFFFFEC00  }
0x3f: {  	[tilespmem:s13], [sflag:$0x1] =	stream.indirect.gather [hbm4b:s4+s16], $0x80, s3, s16, $0xb8;
	[tilespmem:$0x1E800] =	vst v63  }
0x40: {  	_ =	swait.ge [sflag:s17], $0x4000  }
0x41: {  	[sflag:s17] =	ssyncset.done $0x0  }
0x42: {  	s28 =	simm.s32 $0x80;
	[sflag:s17] =	ssyncadd.s32 $0xFFFFC000  }
0x43: {  	[tilespmem:s18], [sflag:$0x1] =	stream.indirect.gather [hbm4b:s4+s16], $0x80, s28, s16, $0xb8;
	[tilespmem:$0x1E800] =	vst v63  }
0x44: {  	s29 =	simm.s32 $0x1400  }
0x45: {  	[spmem:s2] =	stream.indirect.scatter.add.f32 [tilespmem:s13], [sflag:$0x2], $0x80, s29, s16, $0xb8;
	[tilespmem:$0x1E800] =	vst v63  }
0x46: {  	_ =	swait.ge [sflag:s14], $0x4000  }
0x47: {  	[sflag:s14] =	ssyncset.done $0x0  }
0x48: {  	[sflag:s14] =	ssyncadd.s32 $0xFFFFC000  }
0x49: {  	_ =	swait.ge [sflag:s17], $0x4000  }
0x4a: {  	[sflag:s17] =	ssyncset.done $0x0  }
0x4b: {  	s30 =	simm.s32 $0x100;
	[sflag:s17] =	ssyncadd.s32 $0xFFFFC000  }
0x4c: {  	[tilespmem:s13], [sflag:$0x1] =	stream.indirect.gather [hbm4b:s4+s16], $0x80, s30, s16, $0xb8;
	[tilespmem:$0x1E800] =	vst v63  }
0x4d: {  	s31 =	simm.s32 $0x1480  }
0x4e: {  	[spmem:s2] =	stream.indirect.scatter.add.f32 [tilespmem:s18], [sflag:$0x2], $0x80, s31, s16, $0xb8;
	[tilespmem:$0x1E800] =	vst v63  }
0x4f: {  	_ =	swait.ge [sflag:s14], $0x4000  }
0x50: {  	s24 =	simm.s32 $0x800;
	[sflag:s14] =	ssyncset.done $0x0  }
.LBB2_4:
0x51: {  	p0 =	sne.s32 s24, $0x4C00  }
0x52: {  	[sflag:s14] =	ssyncadd.s32 $0xFFFFC000;
	s25 =	smov.u32 s24;
	s24 =	sadd.s32 $0x400, s24  }
0x53: {  	_ = 	snop  }
0x54: {  	_ =	swait.ge [sflag:s17], $0x4000  }
0x55: {  	s25 =	sshra.s32 s25, $0x2;
	[sflag:s17] =	ssyncset.done $0x0  }
0x56: {  	s26 =	sadd.s32 $0xFFFFFF80, s25;
	[sflag:s17] =	ssyncadd.s32 $0xFFFFC000  }
0x57: {  	[tilespmem:s18], [sflag:$0x1] =	stream.indirect.gather [hbm4b:s4+s16], $0x80, s26, s16, $0xb8;
	[tilespmem:$0x1E800] =	vst v63  }
0x58: {  	s26 =	sadd.s32 $0x1300, s25  }
0x59: {  	[spmem:s2] =	stream.indirect.scatter.add.f32 [tilespmem:s13], [sflag:$0x2], $0x80, s26, s16, $0xb8;
	[tilespmem:$0x1E800] =	vst v63  }
0x5a: {  	_ =	swait.ge [sflag:s14], $0x4000  }
0x5b: {  	[sflag:s14] =	ssyncset.done $0x0  }
0x5c: {  	[sflag:s14] =	ssyncadd.s32 $0xFFFFC000  }
0x5d: {  	_ =	swait.ge [sflag:s17], $0x4000  }
0x5e: {  	[sflag:s17] =	ssyncset.done $0x0  }
0x5f: {  	[sflag:s17] =	ssyncadd.s32 $0xFFFFC000  }
0x60: {  	[tilespmem:s13], [sflag:$0x1] =	stream.indirect.gather [hbm4b:s4+s16], $0x80, s25, s16, $0xb8;
	[tilespmem:$0x1E800] =	vst v63  }
.Ltmp1:
0x61: {  	_ = 	snop;
	(pc) =	sbr.rel @p0 .LBB2_4-.Ltmp1, $4  }
0x62: {  	s25 =	sadd.s32 $0x1380, s25  }
0x63: {  	[spmem:s2] =	stream.indirect.scatter.add.f32 [tilespmem:s18], [sflag:$0x2], $0x80, s25, s16, $0xb8;
	[tilespmem:$0x1E800] =	vst v63  }
0x64: {  	_ =	swait.ge [sflag:s14], $0x4000  }
0x65: {  	[sflag:s14] =	ssyncset.done $0x0  }
0x66: {  	[sflag:s14] =	ssyncadd.s32 $0xFFFFC000  }
0x67: {  	_ =	swait.ge [sflag:s17], $0x4000  }
0x68: {  	[sflag:s17] =	ssyncset.done $0x0  }
0x69: {  	[sflag:s17] =	ssyncadd.s32 $0xFFFFC000  }
0x6a: {  	[tilespmem:s18], [sflag:$0x1] =	stream.indirect.gather [hbm4b:s4+s16], $0x80, s19, s16, $0xb8;
	[tilespmem:$0x1E800] =	vst v63  }
0x6b: {  	_ = 	snop  }
0x6c: {  	[spmem:s2] =	stream.indirect.scatter.add.f32 [tilespmem:s13], [sflag:$0x2], $0x80, s20, s16, $0xb8;
	[tilespmem:$0x1E800] =	vst v63  }
0x6d: {  	_ =	swait.ge [sflag:s14], $0x4000  }
0x6e: {  	[sflag:s14] =	ssyncset.done $0x0  }
0x6f: {  	[sflag:s14] =	ssyncadd.s32 $0xFFFFC000  }
0x70: {  	_ =	swait.ge [sflag:s17], $0x4000  }
0x71: {  	[sflag:s17] =	ssyncset.done $0x0  }
0x72: {  	[sflag:s17] =	ssyncadd.s32 $0xFFFFC000  }
0x73: {  	[spmem:s2] =	stream.indirect.scatter.add.f32 [tilespmem:s18], [sflag:$0x2], $0x80, s21, s16, $0xb8;
	[tilespmem:$0x1E800] =	vst v63  }
0x74: {  	_ =	swait.ge [sflag:s14], $0x4000  }
0x75: {  	[sflag:s14] =	ssyncset.done $0x0  }
0x76: {  	s24 =	sadd.s32 $0x280, s6;
	[sflag:s14] =	ssyncadd.s32 $0xFFFFC000  }
0x77: {  	[tilespmem:s3], [sflag:$0x2] =	stream.linear.gather [hbm4b:s24+s3], $0x1400, $0x38;
	[tilespmem:$0x1E800] =	vst v63  }
0x78: {  	_ =	swait.ge [sflag:s14], $0x1400  }
0x79: {  	[sflag:s14] =	ssyncset.done $0x0  }
0x7a: {  	s26 =	sadd.s32 $0x280, s7;
	[sflag:s14] =	ssyncadd.s32 $0xFFFFEC00  }
0x7b: {  	[tilespmem:s15], [sflag:$0x2] =	stream.linear.gather [hbm4b:s26+s3], $0x1400, $0x38;
	[tilespmem:$0x1E800] =	vst v63  }
0x7c: {  	_ =	swait.ge [sflag:s14], $0x1400  }
0x7d: {  	[sflag:s14] =	ssyncset.done $0x0  }
0x7e: {  	[sflag:s14] =	ssyncadd.s32 $0xFFFFEC00  }
0x7f: {  	[tilespmem:s13], [sflag:$0x1] =	stream.indirect.gather [hbm4b:s4+s16], $0x80, s3, s16, $0xb8;
	[tilespmem:$0x1E800] =	vst v63  }
0x80: {  	_ =	swait.ge [sflag:s17], $0x4000  }
0x81: {  	[sflag:s17] =	ssyncset.done $0x0  }
0x82: {  	s28 =	simm.s32 $0x80;
	[sflag:s17] =	ssyncadd.s32 $0xFFFFC000  }
0x83: {  	[tilespmem:s18], [sflag:$0x1] =	stream.indirect.gather [hbm4b:s4+s16], $0x80, s28, s16, $0xb8;
	[tilespmem:$0x1E800] =	vst v63  }
0x84: {  	s29 =	simm.s32 $0x1400  }
0x85: {  	[spmem:s2] =	stream.indirect.scatter.add.f32 [tilespmem:s13], [sflag:$0x2], $0x80, s29, s16, $0xb8;
	[tilespmem:$0x1E800] =	vst v63  }
0x86: {  	_ =	swait.ge [sflag:s14], $0x4000  }
0x87: {  	[sflag:s14] =	ssyncset.done $0x0  }
0x88: {  	[sflag:s14] =	ssyncadd.s32 $0xFFFFC000  }
0x89: {  	_ =	swait.ge [sflag:s17], $0x4000  }
0x8a: {  	[sflag:s17] =	ssyncset.done $0x0  }
0x8b: {  	s30 =	simm.s32 $0x100;
	[sflag:s17] =	ssyncadd.s32 $0xFFFFC000  }
0x8c: {  	[tilespmem:s13], [sflag:$0x1] =	stream.indirect.gather [hbm4b:s4+s16], $0x80, s30, s16, $0xb8;
	[tilespmem:$0x1E800] =	vst v63  }
0x8d: {  	s31 =	simm.s32 $0x1480  }
0x8e: {  	[spmem:s2] =	stream.indirect.scatter.add.f32 [tilespmem:s18], [sflag:$0x2], $0x80, s31, s16, $0xb8;
	[tilespmem:$0x1E800] =	vst v63  }
0x8f: {  	_ =	swait.ge [sflag:s14], $0x4000  }
0x90: {  	s24 =	simm.s32 $0x800;
	[sflag:s14] =	ssyncset.done $0x0  }
.LBB2_6:
0x91: {  	p0 =	sne.s32 s24, $0x4C00  }
0x92: {  	[sflag:s14] =	ssyncadd.s32 $0xFFFFC000;
	s25 =	smov.u32 s24;
	s24 =	sadd.s32 $0x400, s24  }
0x93: {  	_ = 	snop  }
0x94: {  	_ =	swait.ge [sflag:s17], $0x4000  }
0x95: {  	s25 =	sshra.s32 s25, $0x2;
	[sflag:s17] =	ssyncset.done $0x0  }
0x96: {  	s26 =	sadd.s32 $0xFFFFFF80, s25;
	[sflag:s17] =	ssyncadd.s32 $0xFFFFC000  }
0x97: {  	[tilespmem:s18], [sflag:$0x1] =	stream.indirect.gather [hbm4b:s4+s16], $0x80, s26, s16, $0xb8;
	[tilespmem:$0x1E800] =	vst v63  }
0x98: {  	s26 =	sadd.s32 $0x1300, s25  }
0x99: {  	[spmem:s2] =	stream.indirect.scatter.add.f32 [tilespmem:s13], [sflag:$0x2], $0x80, s26, s16, $0xb8;
	[tilespmem:$0x1E800] =	vst v63  }
0x9a: {  	_ =	swait.ge [sflag:s14], $0x4000  }
0x9b: {  	[sflag:s14] =	ssyncset.done $0x0  }
0x9c: {  	[sflag:s14] =	ssyncadd.s32 $0xFFFFC000  }
0x9d: {  	_ =	swait.ge [sflag:s17], $0x4000  }
0x9e: {  	[sflag:s17] =	ssyncset.done $0x0  }
0x9f: {  	[sflag:s17] =	ssyncadd.s32 $0xFFFFC000  }
0xa0: {  	[tilespmem:s13], [sflag:$0x1] =	stream.indirect.gather [hbm4b:s4+s16], $0x80, s25, s16, $0xb8;
	[tilespmem:$0x1E800] =	vst v63  }
.Ltmp2:
0xa1: {  	_ = 	snop;
	(pc) =	sbr.rel @p0 .LBB2_6-.Ltmp2, $4  }
0xa2: {  	s25 =	sadd.s32 $0x1380, s25  }
0xa3: {  	[spmem:s2] =	stream.indirect.scatter.add.f32 [tilespmem:s18], [sflag:$0x2], $0x80, s25, s16, $0xb8;
	[tilespmem:$0x1E800] =	vst v63  }
0xa4: {  	_ =	swait.ge [sflag:s14], $0x4000  }
0xa5: {  	[sflag:s14] =	ssyncset.done $0x0  }
0xa6: {  	[sflag:s14] =	ssyncadd.s32 $0xFFFFC000  }
0xa7: {  	_ =	swait.ge [sflag:s17], $0x4000  }
0xa8: {  	[sflag:s17] =	ssyncset.done $0x0  }
0xa9: {  	[sflag:s17] =	ssyncadd.s32 $0xFFFFC000  }
0xaa: {  	[tilespmem:s18], [sflag:$0x1] =	stream.indirect.gather [hbm4b:s4+s16], $0x80, s19, s16, $0xb8;
	[tilespmem:$0x1E800] =	vst v63  }
0xab: {  	_ = 	snop  }
0xac: {  	[spmem:s2] =	stream.indirect.scatter.add.f32 [tilespmem:s13], [sflag:$0x2], $0x80, s20, s16, $0xb8;
	[tilespmem:$0x1E800] =	vst v63  }
0xad: {  	_ =	swait.ge [sflag:s14], $0x4000  }
0xae: {  	[sflag:s14] =	ssyncset.done $0x0  }
0xaf: {  	[sflag:s14] =	ssyncadd.s32 $0xFFFFC000  }
0xb0: {  	_ =	swait.ge [sflag:s17], $0x4000  }
0xb1: {  	[sflag:s17] =	ssyncset.done $0x0  }
0xb2: {  	[sflag:s17] =	ssyncadd.s32 $0xFFFFC000  }
0xb3: {  	[spmem:s2] =	stream.indirect.scatter.add.f32 [tilespmem:s18], [sflag:$0x2], $0x80, s21, s16, $0xb8;
	[tilespmem:$0x1E800] =	vst v63  }
0xb4: {  	_ =	swait.ge [sflag:s14], $0x4000  }
0xb5: {  	s24 =	sshll.u32 s0, $0x6;
	s23 =	sadd.s32 $0x1, s23;
	[sflag:s14] =	ssyncset.done $0x0  }
0xb6: {  	s25 =	sshrl.u32 s5, $0x3;
	p0 =	sne.s32 s23, s8;
	[sflag:s14] =	ssyncadd.s32 $0xFFFFC000  }
.Ltmp3:
0xb7: {  	s24 =	sor.u32 $0x1C02, s24;
	[bflag:$0x0] =	sbarrier.arrive $0xFFFF;
	(pc) =	sbr.rel @p0 .LBB2_1-.Ltmp3, $4  }
0xb8: {  	[hbm:s22], [sflag:s24] =	dma.local [spmem:s25], $0x2800  }
0xb9: {  	_ =	swait.ge [sflag:s14], $0x2800  }
0xba: {  	[sflag:s14] =	ssyncset.done $0x0  }
0xbb: {  	[sflag:s14] =	ssyncadd.s32 $0xFFFFD800  }
0xbc: {  	_ =	sfence.sel $0x180000  }
0xbd: {  	[bflag:$0x0] =	sbarrier.arrive $0xFFFF  }
0xbe: {  	p0 =	sne.s32 s0, $0x0;
	_ =	strace $0x9000004A  }
0xbf: {  	s0 =	sadd.s32 @!p0 $0x100000, s1;
	[bflag:$0x2] =	sbarrier.arrive $0xFFFF  }
0xc0: {  	[sflag:s0] =	ssyncadd.tile.s32 @!p0 $0x1;
	_ =	shalt  }
.Lfunc_end2:
_tile_overlayer_lowered:
.L_overlay_start_2:
0xc1: {  	(tag) =	ssettag $0x2  }
0xc2: {  	s0 =	rddreg [dreg:$0x0];
	s2 =	stileid.u32  }
0xc3: {  	s1 =	rddreg [dreg:$0x1];
	p0 =	sne.s32 s2, $0x0  }
0xc4: {  	s3 =	rddreg [dreg:$0x2];
	[bflag:$0x3] =	sbarrier.arrive $0xFFFF;
	s2 =	simm.s32 @!p0 $0x1C02  }
0xc5: {  	[timem:s3], [sflag:s2] =	dma.local @!p0 [hbm:s0], s1  }
0xc6: {  	s0 =	simm.s32 @!p0 $0x2  }
0xc7: {  	_ =	swait.ge @!p0 [sflag:s0], s1  }
0xc8: {  	s1 =	ssub.s32 @!p0 $0x0, s1;
	[sflag:s0] =	ssyncset.done @!p0 $0x0  }
0xc9: {  	[sflag:s0] =	ssyncadd.s32 @!p0 s1  }
0xca: {  	[bflag:$0x3] =	sbarrier.arrive $0xFFFF  }
0xcb: {  	_ =	shalt  }

</sc_bundles>
